<compile_context>
chip_gen: v7x
topology: tpu7x:2x2x1
jax: 0.10.2.dev20260603
libtpu: 0.0.44.dev20260713+nightly
codegen_flags: <defaults>
</compile_context>

<pallas_src>
import functools

import jax
import jax.numpy as jnp
from jax import lax
from jax.experimental import pallas as pl
from jax.experimental.pallas import tpu as pltpu
from jax.experimental.pallas import tpu_sc as plsc

NC = 2
NS = 16
L = 16
NW = NC * NS
BLK = 128
DI = 2 * L

_PI = 3.14159265358979


def _rsqrt(x, iters):
    i = lax.bitcast_convert_type(x, jnp.int32)
    i = jnp.int32(0x5F3759DF) - jnp.right_shift(i, 1)
    y = lax.bitcast_convert_type(i, jnp.float32)
    xh = 0.5 * x
    for _ in range(iters):
        y = y * (1.5 - xh * y * y)
    return y


def _acos(x):
    ax = jnp.abs(x)
    u = 1.0 - ax
    s = u * _rsqrt(jnp.maximum(u, 1e-30), 1)
    p = jnp.float32(-0.0187293)
    p = p * ax + 0.0742610
    p = p * ax + -0.2121144
    p = p * ax + 1.5707288
    r = s * p
    return jnp.where(x < 0, _PI - r, r)


def _lo(v):
    return lax.bitcast_convert_type(lax.shift_left(v, 16), jnp.float32)


def _hi(v):
    return lax.bitcast_convert_type(
        lax.bitwise_and(v, jnp.int32(-65536)), jnp.float32)


def _build_sc_call(V, F_PAD, D, FPW, NBLK):
    mesh = plsc.VectorSubcoreMesh(core_axis_name="c", subcore_axis_name="s")
    IPW = FPW + BLK

    @functools.partial(
        pl.kernel,
        out_type=jax.ShapeDtypeStruct((F_PAD, D), jnp.float32),
        mesh=mesh,
        compiler_params=pltpu.CompilerParams(use_tc_tiling_on_sc=False),
        scratch_types=[
            pltpu.VMEM((IPW,), jnp.int32),
            pltpu.VMEM((IPW,), jnp.int32),
            pltpu.VMEM((IPW,), jnp.int32),
            pltpu.VMEM((BLK, DI), jnp.int32),
            pltpu.VMEM((BLK, DI), jnp.int32),
            pltpu.VMEM((BLK, DI), jnp.int32),
            pltpu.VMEM((BLK, DI), jnp.int32),
            pltpu.VMEM((BLK, DI), jnp.int32),
            pltpu.VMEM((BLK, DI), jnp.int32),
            pltpu.VMEM((BLK, D), jnp.float32),
            pltpu.VMEM((BLK, D), jnp.float32),
            pltpu.SemaphoreType.DMA,
            pltpu.SemaphoreType.DMA,
            pltpu.SemaphoreType.DMA,
            pltpu.SemaphoreType.DMA,
        ],
    )
    def sc_angles(fs_hbm, i0_hbm, i1_hbm, i2_hbm, out_hbm,
                  i0_v, i1_v, i2_v,
                  p0a, p1a, p2a, p0b, p1b, p2b, oa, ob,
                  sga, sgb, soa, sob):
        wid = lax.axis_index("s") * NC + lax.axis_index("c")
        base = wid * FPW

        pltpu.sync_copy(i0_hbm.at[pl.ds(base, IPW)], i0_v)
        pltpu.sync_copy(i1_hbm.at[pl.ds(base, IPW)], i1_v)
        pltpu.sync_copy(i2_hbm.at[pl.ds(base, IPW)], i2_v)

        def prefetch(blk, p0, p1, p2, sem):
            o = blk * BLK
            pltpu.async_copy(fs_hbm.at[i0_v.at[pl.ds(o, BLK)]], p0, sem)
            pltpu.async_copy(fs_hbm.at[i1_v.at[pl.ds(o, BLK)]], p1, sem)
            pltpu.async_copy(fs_hbm.at[i2_v.at[pl.ds(o, BLK)]], p2, sem)

        def wait_gathers(p0, p1, p2, sem):
            pltpu.make_async_copy(fs_hbm.at[i0_v.at[pl.ds(0, BLK)]], p0, sem).wait()
            pltpu.make_async_copy(fs_hbm.at[i1_v.at[pl.ds(0, BLK)]], p1, sem).wait()
            pltpu.make_async_copy(fs_hbm.at[i2_v.at[pl.ds(0, BLK)]], p2, sem).wait()

        def compute(p0_v, p1_v, p2_v, o_v):
            @pl.loop(0, BLK)
            def _(f):
                a0 = p0_v[f, pl.ds(0, L)]
                b0 = p0_v[f, pl.ds(L, L)]
                a1 = p1_v[f, pl.ds(0, L)]
                b1 = p1_v[f, pl.ds(L, L)]
                a2 = p2_v[f, pl.ds(0, L)]
                b2 = p2_v[f, pl.ds(L, L)]
                p0x, p0y, p0z = _lo(a0), _hi(a0), _lo(b0)
                p1x, p1y, p1z = _lo(a1), _hi(a1), _lo(b1)
                p2x, p2y, p2z = _lo(a2), _hi(a2), _lo(b2)
                e0x, e0y, e0z = p2x - p0x, p2y - p0y, p2z - p0z
                e1x, e1y, e1z = p0x - p1x, p0y - p1y, p0z - p1z
                n0 = e0x * e0x + e0y * e0y + e0z * e0z
                n1 = e1x * e1x + e1y * e1y + e1z * e1z
                g01 = e0x * e1x + e0y * e1y + e0z * e1z
                n2 = n0 + n1 + (g01 + g01)
                c0 = (n1 + g01) * _rsqrt(n1 * n2, 2)
                c1 = (n0 + g01) * _rsqrt(n2 * n0, 2)
                c2 = -g01 * _rsqrt(n0 * n1, 2)
                one = jnp.float32(1.0)
                c0 = jnp.minimum(jnp.maximum(c0, -one), one)
                c1 = jnp.minimum(jnp.maximum(c1, -one), one)
                c2 = jnp.minimum(jnp.maximum(c2, -one), one)
                o_v[f, pl.ds(0, L)] = _acos(c0)
                o_v[f, pl.ds(L, L)] = _acos(c1)
                o_v[f, pl.ds(2 * L, L)] = _acos(c2)

        def store(blk, o_v, sem):
            pltpu.async_copy(o_v, out_hbm.at[pl.ds(base + blk * BLK, BLK)], sem)

        def wait_store(o_v, sem):
            pltpu.make_async_copy(o_v, out_hbm.at[pl.ds(base, BLK)], sem).wait()

        prefetch(0, p0a, p1a, p2a, sga)

        @pl.loop(0, NBLK // 2)
        def _(i):
            a_blk = 2 * i
            b_blk = 2 * i + 1
            wait_gathers(p0a, p1a, p2a, sga)
            prefetch(b_blk, p0b, p1b, p2b, sgb)

            @pl.when(i > 0)
            def _():
                wait_store(oa, soa)

            compute(p0a, p1a, p2a, oa)
            store(a_blk, oa, soa)

            wait_gathers(p0b, p1b, p2b, sgb)
            prefetch(b_blk + 1, p0a, p1a, p2a, sga)

            @pl.when(i > 0)
            def _():
                wait_store(ob, sob)

            compute(p0b, p1b, p2b, ob)
            store(b_blk, ob, sob)

        wait_gathers(p0a, p1a, p2a, sga)
        wait_store(oa, soa)
        wait_store(ob, sob)

    return sc_angles


def kernel(fs, faces):
    B, V, _ = fs.shape
    F = faces.shape[0]
    assert B == L
    D = 3 * B
    NBLK2 = -(-F // (NW * 2 * BLK))
    NBLK = 2 * NBLK2
    FPW = NBLK * BLK
    F_PAD = FPW * NW

    bits = lax.bitcast_convert_type(
        fs.astype(jnp.bfloat16), jnp.uint16).astype(jnp.int32)
    cxy = jnp.bitwise_or(bits[:, :, 0],
                         lax.shift_left(bits[:, :, 1], 16))
    cz = bits[:, :, 2]
    fs_packed = jnp.concatenate([cxy.T, cz.T], axis=1)

    faces_pad = jnp.pad(faces, ((0, F_PAD + BLK - F), (0, 0)))
    i0 = faces_pad[:, 0]
    i1 = faces_pad[:, 1]
    i2 = faces_pad[:, 2]

    out = _build_sc_call(V, F_PAD, D, FPW, NBLK)(fs_packed, i0, i1, i2)
    alphas = out[:F].reshape(F, 3, B).transpose(2, 0, 1)
    return alphas

# --- scband reference (transcript-rebuilt; emitter-appended) ---
"""Pipeline reference for scband-manifold-16879221473664 (READ-ONLY COPY).

The authoritative reference and input builder live on the scoring server;
editing this copy changes nothing except your own understanding.
"""

import jax, jax.numpy as jnp
import numpy as np

NUM_VERTICES = 100000
NUM_FACES = 200000
BATCH = 16


def setup_inputs(seed: int = 0) -> dict:
    key = jax.random.key(seed)
    k1, k2 = jax.random.split(key)
    # Construct faces so that the three vertex indices of each face are always
    # distinct (avoids degenerate zero-length edges -> NaN in normalization).
    base = jax.random.randint(k1, (NUM_FACES,), 0, NUM_VERTICES)
    faces = jnp.stack([base,
                       (base + 1) % NUM_VERTICES,
                       (base + 2) % NUM_VERTICES], axis=1).astype(jnp.int32)
    fs = jax.random.normal(k2, (BATCH, NUM_VERTICES, 3), dtype=jnp.float32)
    return {"fs": fs, "faces": faces}


def reference(fs, faces):
    # Manifold.embedding_to_angles: gather vertex positions per halfedge
    # (embedding lookup), form halfedge vectors, compute interior angles.
    num_faces = faces.shape[0]
    tails = faces.reshape(-1)                                   # [3F]
    tips = faces[:, jnp.array([2, 0, 1])].reshape(-1)           # [3F]
    # embedding_to_halfedge_vectors: two gathers over the vertex table
    es = jnp.take(fs, tips, axis=-2) - jnp.take(fs, tails, axis=-2)  # [B, 3F, 3]
    # group_halfedge_vectors_by_face: halfedges_to_faces = arange(3F).reshape(F,3)
    es_by_face = es.reshape(es.shape[:-2] + (num_faces, 3, 3))       # [B, F, 3, 3]
    e_kjs = -es_by_face[..., jnp.array([1, 2, 0]), :]
    e_kis = es_by_face[..., jnp.array([2, 0, 1]), :]
    dots = jnp.sum(e_kjs * e_kis, axis=-1)
    dens = jnp.linalg.norm(e_kjs, axis=-1) * jnp.linalg.norm(e_kis, axis=-1)
    cos_alphas = dots / dens
    alphas = jnp.arccos(jnp.clip(cos_alphas, -1.0, 1.0))            # [B, F, 3]
    return alphas

if __name__ == "__main__":
    import jax
    _d = setup_inputs()
    print(jax.jit(kernel)(*tuple(_d.values())))

</pallas_src>

<mosaic_0001>
#map = affine_map<(d0, d1) -> (0, 0)>
#map1 = affine_map<(d0, d1) -> (0)>
module attributes {stable_mosaic.version = 14 : i64} {
  func.func @sc_angles(%arg0: i32, %arg1: i32, %arg2: memref<100000x32xi32, #tpu.memory_space<hbm>>, %arg3: memref<204928xi32, #tpu.memory_space<hbm>>, %arg4: memref<204928xi32, #tpu.memory_space<hbm>>, %arg5: memref<204928xi32, #tpu.memory_space<hbm>>, %arg6: memref<204800x48xf32, #tpu.memory_space<hbm>>, %arg7: memref<6528xi32, #tpu.memory_space<vmem>>, %arg8: memref<6528xi32, #tpu.memory_space<vmem>>, %arg9: memref<6528xi32, #tpu.memory_space<vmem>>, %arg10: memref<128x32xi32, #tpu.memory_space<vmem>>, %arg11: memref<128x32xi32, #tpu.memory_space<vmem>>, %arg12: memref<128x32xi32, #tpu.memory_space<vmem>>, %arg13: memref<128x32xi32, #tpu.memory_space<vmem>>, %arg14: memref<128x32xi32, #tpu.memory_space<vmem>>, %arg15: memref<128x32xi32, #tpu.memory_space<vmem>>, %arg16: memref<128x48xf32, #tpu.memory_space<vmem>>, %arg17: memref<128x48xf32, #tpu.memory_space<vmem>>, %arg18: memref<!tpu.dma_semaphore, #tpu.memory_space<semaphore_mem>>, %arg19: memref<!tpu.dma_semaphore, #tpu.memory_space<semaphore_mem>>, %arg20: memref<!tpu.dma_semaphore, #tpu.memory_space<semaphore_mem>>, %arg21: memref<!tpu.dma_semaphore, #tpu.memory_space<semaphore_mem>>) attributes {dimension_semantics = [#tpu.dimension_semantics<core_parallel>, #tpu.dimension_semantics<subcore_parallel>], iteration_bounds = array<i64: 2, 16>, scalar_prefetch = 0 : i64, scratch_operands = 15 : i64, tpu.core_type = #tpu.core_type<sc_vector_subcore>, window_params = [{transform_indices = #map}, {transform_indices = #map1}, {transform_indices = #map1}, {transform_indices = #map1}, {transform_indices = #map}]} {
    %mul3A = arith.constant 2 : i32
    %mul3A_0 = arith.muli %arg1, %mul3A : i32
    %add3A = arith.addi %mul3A_0, %arg0 : i32
    %mul3A_1 = arith.constant 6400 : i32
    %mul3A_2 = arith.muli %add3A, %mul3A_1 : i32
    "tpu.region"() ({
      %run_scoped3A = tpu.sem_alloc : memref<!tpu.dma_semaphore, #tpu.memory_space<semaphore_mem>>
      %dma_start3A_43 = tpu.memref_slice %arg3[%mul3A_2] : memref<204928xi32, #tpu.memory_space<hbm>> -> memref<6528xi32, #tpu.memory_space<hbm>>
      %dma_start3A_44 = tpu.memref_slice %arg3[%mul3A_2] : memref<204928xi32, #tpu.memory_space<hbm>> -> memref<6528xi32, #tpu.memory_space<hbm>>
      tpu.enqueue_dma source(%dma_start3A_44 : memref<6528xi32, #tpu.memory_space<hbm>>) target(%arg7 : memref<6528xi32, #tpu.memory_space<vmem>>) target_semaphore(%run_scoped3A : memref<!tpu.dma_semaphore, #tpu.memory_space<semaphore_mem>>)
      %dma_wait3A_45 = tpu.memref_slice %arg3[%mul3A_2] : memref<204928xi32, #tpu.memory_space<hbm>> -> memref<6528xi32, #tpu.memory_space<hbm>>
      %dma_wait3A_46 = tpu.memref_slice %arg3[%mul3A_2] : memref<204928xi32, #tpu.memory_space<hbm>> -> memref<6528xi32, #tpu.memory_space<hbm>>
      tpu.wait_dma2 semaphore(%run_scoped3A : memref<!tpu.dma_semaphore, #tpu.memory_space<semaphore_mem>>) src(%dma_wait3A_46 : memref<6528xi32, #tpu.memory_space<hbm>>) dst(%arg7 : memref<6528xi32, #tpu.memory_space<vmem>>)
      tpu.yield
    }) : () -> ()
    "tpu.region"() ({
      %run_scoped3A = tpu.sem_alloc : memref<!tpu.dma_semaphore, #tpu.memory_space<semaphore_mem>>
      %dma_start3A_43 = tpu.memref_slice %arg4[%mul3A_2] : memref<204928xi32, #tpu.memory_space<hbm>> -> memref<6528xi32, #tpu.memory_space<hbm>>
      %dma_start3A_44 = tpu.memref_slice %arg4[%mul3A_2] : memref<204928xi32, #tpu.memory_space<hbm>> -> memref<6528xi32, #tpu.memory_space<hbm>>
      tpu.enqueue_dma source(%dma_start3A_44 : memref<6528xi32, #tpu.memory_space<hbm>>) target(%arg8 : memref<6528xi32, #tpu.memory_space<vmem>>) target_semaphore(%run_scoped3A : memref<!tpu.dma_semaphore, #tpu.memory_space<semaphore_mem>>)
      %dma_wait3A_45 = tpu.memref_slice %arg4[%mul3A_2] : memref<204928xi32, #tpu.memory_space<hbm>> -> memref<6528xi32, #tpu.memory_space<hbm>>
      %dma_wait3A_46 = tpu.memref_slice %arg4[%mul3A_2] : memref<204928xi32, #tpu.memory_space<hbm>> -> memref<6528xi32, #tpu.memory_space<hbm>>
      tpu.wait_dma2 semaphore(%run_scoped3A : memref<!tpu.dma_semaphore, #tpu.memory_space<semaphore_mem>>) src(%dma_wait3A_46 : memref<6528xi32, #tpu.memory_space<hbm>>) dst(%arg8 : memref<6528xi32, #tpu.memory_space<vmem>>)
      tpu.yield
    }) : () -> ()
    "tpu.region"() ({
      %run_scoped3A = tpu.sem_alloc : memref<!tpu.dma_semaphore, #tpu.memory_space<semaphore_mem>>
      %dma_start3A_43 = tpu.memref_slice %arg5[%mul3A_2] : memref<204928xi32, #tpu.memory_space<hbm>> -> memref<6528xi32, #tpu.memory_space<hbm>>
      %dma_start3A_44 = tpu.memref_slice %arg5[%mul3A_2] : memref<204928xi32, #tpu.memory_space<hbm>> -> memref<6528xi32, #tpu.memory_space<hbm>>
      tpu.enqueue_dma source(%dma_start3A_44 : memref<6528xi32, #tpu.memory_space<hbm>>) target(%arg9 : memref<6528xi32, #tpu.memory_space<vmem>>) target_semaphore(%run_scoped3A : memref<!tpu.dma_semaphore, #tpu.memory_space<semaphore_mem>>)
      %dma_wait3A_45 = tpu.memref_slice %arg5[%mul3A_2] : memref<204928xi32, #tpu.memory_space<hbm>> -> memref<6528xi32, #tpu.memory_space<hbm>>
      %dma_wait3A_46 = tpu.memref_slice %arg5[%mul3A_2] : memref<204928xi32, #tpu.memory_space<hbm>> -> memref<6528xi32, #tpu.memory_space<hbm>>
      tpu.wait_dma2 semaphore(%run_scoped3A : memref<!tpu.dma_semaphore, #tpu.memory_space<semaphore_mem>>) src(%dma_wait3A_46 : memref<6528xi32, #tpu.memory_space<hbm>>) dst(%arg9 : memref<6528xi32, #tpu.memory_space<vmem>>)
      tpu.yield
    }) : () -> ()
    %dma_start3A = arith.constant 0 : i32
    %dma_start3A_3 = tpu.memref_slice %arg7[%dma_start3A] : memref<6528xi32, #tpu.memory_space<vmem>> -> memref<128xi32, #tpu.memory_space<vmem>>
    %dma_start3A_4 = arith.constant 0 : i32
    %dma_start3A_5 = arith.constant 0 : i32
    %dma_start3A_6 = tpu.memref_slice %arg2[%dma_start3A_4, %dma_start3A_5] : memref<100000x32xi32, #tpu.memory_space<hbm>> -> memref<100000x32xi32, #tpu.memory_space<hbm>>
    tpu.enqueue_indirect_dma source(%dma_start3A_6 : memref<100000x32xi32, #tpu.memory_space<hbm>>) target(%arg10 : memref<128x32xi32, #tpu.memory_space<vmem>>) offsets(%dma_start3A_3 : memref<128xi32, #tpu.memory_space<vmem>>) semaphore(%arg18 : memref<!tpu.dma_semaphore, #tpu.memory_space<semaphore_mem>>)
    %dma_start3A_7 = arith.constant 0 : i32
    %dma_start3A_8 = tpu.memref_slice %arg8[%dma_start3A_7] : memref<6528xi32, #tpu.memory_space<vmem>> -> memref<128xi32, #tpu.memory_space<vmem>>
    %dma_start3A_9 = arith.constant 0 : i32
    %dma_start3A_10 = arith.constant 0 : i32
    %dma_start3A_11 = tpu.memref_slice %arg2[%dma_start3A_9, %dma_start3A_10] : memref<100000x32xi32, #tpu.memory_space<hbm>> -> memref<100000x32xi32, #tpu.memory_space<hbm>>
    tpu.enqueue_indirect_dma source(%dma_start3A_11 : memref<100000x32xi32, #tpu.memory_space<hbm>>) target(%arg11 : memref<128x32xi32, #tpu.memory_space<vmem>>) offsets(%dma_start3A_8 : memref<128xi32, #tpu.memory_space<vmem>>) semaphore(%arg18 : memref<!tpu.dma_semaphore, #tpu.memory_space<semaphore_mem>>)
    %dma_start3A_12 = arith.constant 0 : i32
    %dma_start3A_13 = tpu.memref_slice %arg9[%dma_start3A_12] : memref<6528xi32, #tpu.memory_space<vmem>> -> memref<128xi32, #tpu.memory_space<vmem>>
    %dma_start3A_14 = arith.constant 0 : i32
    %dma_start3A_15 = arith.constant 0 : i32
    %dma_start3A_16 = tpu.memref_slice %arg2[%dma_start3A_14, %dma_start3A_15] : memref<100000x32xi32, #tpu.memory_space<hbm>> -> memref<100000x32xi32, #tpu.memory_space<hbm>>
    tpu.enqueue_indirect_dma source(%dma_start3A_16 : memref<100000x32xi32, #tpu.memory_space<hbm>>) target(%arg12 : memref<128x32xi32, #tpu.memory_space<vmem>>) offsets(%dma_start3A_13 : memref<128xi32, #tpu.memory_space<vmem>>) semaphore(%arg18 : memref<!tpu.dma_semaphore, #tpu.memory_space<semaphore_mem>>)
    %scan3A = arith.constant 0 : i32
    %scan3A_17 = arith.constant 25 : i32
    %scan3A_18 = arith.addi %scan3A, %scan3A_17 : i32
    %scan3A_19 = arith.constant 1 : i32
    scf.for %scan3A_43 = %scan3A to %scan3A_18 step %scan3A_19  : i32 {
      %mul3A_44 = arith.constant 1 : i32
      %mul3A_45 = arith.muli %scan3A_43, %mul3A_44 : i32
      %add3A_46 = arith.constant 0 : i32
      %add3A_47 = arith.addi %add3A_46, %mul3A_45 : i32
      %mul3A_48 = arith.constant 2 : i32
      %mul3A_49 = arith.muli %mul3A_48, %add3A_47 : i32
      %mul3A_50 = arith.constant 2 : i32
      %mul3A_51 = arith.muli %mul3A_50, %add3A_47 : i32
      %add3A_52 = arith.constant 1 : i32
      %add3A_53 = arith.addi %mul3A_51, %add3A_52 : i32
      %dma_wait3A_54 = arith.constant 0 : i32
      %dma_wait3A_55 = tpu.memref_slice %arg7[%dma_wait3A_54] : memref<6528xi32, #tpu.memory_space<vmem>> -> memref<128xi32, #tpu.memory_space<vmem>>
      %dma_wait3A_56 = arith.constant 0 : i32
      %dma_wait3A_57 = arith.constant 0 : i32
      %dma_wait3A_58 = tpu.memref_slice %arg2[%dma_wait3A_56, %dma_wait3A_57] : memref<100000x32xi32, #tpu.memory_space<hbm>> -> memref<100000x32xi32, #tpu.memory_space<hbm>>
      tpu.wait_indirect_dma semaphore(%arg18 : memref<!tpu.dma_semaphore, #tpu.memory_space<semaphore_mem>>) src(%dma_wait3A_58 : memref<100000x32xi32, #tpu.memory_space<hbm>>) dst(%arg10 : memref<128x32xi32, #tpu.memory_space<vmem>>)
      %dma_wait3A_59 = arith.constant 0 : i32
      %dma_wait3A_60 = tpu.memref_slice %arg8[%dma_wait3A_59] : memref<6528xi32, #tpu.memory_space<vmem>> -> memref<128xi32, #tpu.memory_space<vmem>>
      %dma_wait3A_61 = arith.constant 0 : i32
      %dma_wait3A_62 = arith.constant 0 : i32
      %dma_wait3A_63 = tpu.memref_slice %arg2[%dma_wait3A_61, %dma_wait3A_62] : memref<100000x32xi32, #tpu.memory_space<hbm>> -> memref<100000x32xi32, #tpu.memory_space<hbm>>
      tpu.wait_indirect_dma semaphore(%arg18 : memref<!tpu.dma_semaphore, #tpu.memory_space<semaphore_mem>>) src(%dma_wait3A_63 : memref<100000x32xi32, #tpu.memory_space<hbm>>) dst(%arg11 : memref<128x32xi32, #tpu.memory_space<vmem>>)
      %dma_wait3A_64 = arith.constant 0 : i32
      %dma_wait3A_65 = tpu.memref_slice %arg9[%dma_wait3A_64] : memref<6528xi32, #tpu.memory_space<vmem>> -> memref<128xi32, #tpu.memory_space<vmem>>
      %dma_wait3A_66 = arith.constant 0 : i32
      %dma_wait3A_67 = arith.constant 0 : i32
      %dma_wait3A_68 = tpu.memref_slice %arg2[%dma_wait3A_66, %dma_wait3A_67] : memref<100000x32xi32, #tpu.memory_space<hbm>> -> memref<100000x32xi32, #tpu.memory_space<hbm>>
      tpu.wait_indirect_dma semaphore(%arg18 : memref<!tpu.dma_semaphore, #tpu.memory_space<semaphore_mem>>) src(%dma_wait3A_68 : memref<100000x32xi32, #tpu.memory_space<hbm>>) dst(%arg12 : memref<128x32xi32, #tpu.memory_space<vmem>>)
      %mul3A_69 = arith.constant 128 : i32
      %mul3A_70 = arith.muli %add3A_53, %mul3A_69 : i32
      %dma_start3A_71 = tpu.memref_slice %arg7[%mul3A_70] : memref<6528xi32, #tpu.memory_space<vmem>> -> memref<128xi32, #tpu.memory_space<vmem>>
      %dma_start3A_72 = arith.constant 0 : i32
      %dma_start3A_73 = arith.constant 0 : i32
      %dma_start3A_74 = tpu.memref_slice %arg2[%dma_start3A_72, %dma_start3A_73] : memref<100000x32xi32, #tpu.memory_space<hbm>> -> memref<100000x32xi32, #tpu.memory_space<hbm>>
      tpu.enqueue_indirect_dma source(%dma_start3A_74 : memref<100000x32xi32, #tpu.memory_space<hbm>>) target(%arg13 : memref<128x32xi32, #tpu.memory_space<vmem>>) offsets(%dma_start3A_71 : memref<128xi32, #tpu.memory_space<vmem>>) semaphore(%arg19 : memref<!tpu.dma_semaphore, #tpu.memory_space<semaphore_mem>>)
      %dma_start3A_75 = tpu.memref_slice %arg8[%mul3A_70] : memref<6528xi32, #tpu.memory_space<vmem>> -> memref<128xi32, #tpu.memory_space<vmem>>
      %dma_start3A_76 = arith.constant 0 : i32
      %dma_start3A_77 = arith.constant 0 : i32
      %dma_start3A_78 = tpu.memref_slice %arg2[%dma_start3A_76, %dma_start3A_77] : memref<100000x32xi32, #tpu.memory_space<hbm>> -> memref<100000x32xi32, #tpu.memory_space<hbm>>
      tpu.enqueue_indirect_dma source(%dma_start3A_78 : memref<100000x32xi32, #tpu.memory_space<hbm>>) target(%arg14 : memref<128x32xi32, #tpu.memory_space<vmem>>) offsets(%dma_start3A_75 : memref<128xi32, #tpu.memory_space<vmem>>) semaphore(%arg19 : memref<!tpu.dma_semaphore, #tpu.memory_space<semaphore_mem>>)
      %dma_start3A_79 = tpu.memref_slice %arg9[%mul3A_70] : memref<6528xi32, #tpu.memory_space<vmem>> -> memref<128xi32, #tpu.memory_space<vmem>>
      %dma_start3A_80 = arith.constant 0 : i32
      %dma_start3A_81 = arith.constant 0 : i32
      %dma_start3A_82 = tpu.memref_slice %arg2[%dma_start3A_80, %dma_start3A_81] : memref<100000x32xi32, #tpu.memory_space<hbm>> -> memref<100000x32xi32, #tpu.memory_space<hbm>>
      tpu.enqueue_indirect_dma source(%dma_start3A_82 : memref<100000x32xi32, #tpu.memory_space<hbm>>) target(%arg15 : memref<128x32xi32, #tpu.memory_space<vmem>>) offsets(%dma_start3A_79 : memref<128xi32, #tpu.memory_space<vmem>>) semaphore(%arg19 : memref<!tpu.dma_semaphore, #tpu.memory_space<semaphore_mem>>)
      %gt3A = arith.constant 0 : i32
      %gt3A_83 = arith.cmpi sgt, %add3A_47, %gt3A : i32
      %convert_element_type3A = arith.extui %gt3A_83 : i1 to i32
      %cond3A = arith.constant 0 : i32
      %cond3A_84 = arith.cmpi ne, %convert_element_type3A, %cond3A : i32
      scf.if %cond3A_84 {
        %dma_wait3A_145 = arith.constant 0 : i32
        %dma_wait3A_146 = tpu.memref_slice %arg6[%mul3A_2, %dma_wait3A_145] : memref<204800x48xf32, #tpu.memory_space<hbm>> -> memref<128x48xf32, #tpu.memory_space<hbm>>
        %dma_wait3A_147 = arith.constant 0 : i32
        %dma_wait3A_148 = tpu.memref_slice %arg6[%mul3A_2, %dma_wait3A_147] : memref<204800x48xf32, #tpu.memory_space<hbm>> -> memref<128x48xf32, #tpu.memory_space<hbm>>
        tpu.wait_dma2 semaphore(%arg20 : memref<!tpu.dma_semaphore, #tpu.memory_space<semaphore_mem>>) src(%arg16 : memref<128x48xf32, #tpu.memory_space<vmem>>) dst(%dma_wait3A_148 : memref<128x48xf32, #tpu.memory_space<hbm>>)
      } else {
      }
      %scan3A_85 = arith.constant 0 : i32
      %scan3A_86 = arith.constant 128 : i32
      %scan3A_87 = arith.addi %scan3A_85, %scan3A_86 : i32
      %scan3A_88 = arith.constant 1 : i32
      scf.for %scan3A_145 = %scan3A_85 to %scan3A_87 step %scan3A_88  : i32 {
        %mul3A_146 = arith.constant 1 : i32
        %mul3A_147 = arith.muli %scan3A_145, %mul3A_146 : i32
        %add3A_148 = arith.constant 0 : i32
        %add3A_149 = arith.addi %add3A_148, %mul3A_147 : i32
        %get3A = arith.index_cast %add3A_149 : i32 to index
        %get3A_150 = arith.constant 0 : index
        %get3A_151 = tpu.vector_load %arg10[%get3A, %get3A_150] {strides = array<i32>} : memref<128x32xi32, #tpu.memory_space<vmem>>, vector<1x16xi32>,
        %get3A_152 = vector.shape_cast %get3A_151 : vector<1x16xi32> to vector<16xi32>
        %get3A_153 = arith.index_cast %add3A_149 : i32 to index
        %get3A_154 = arith.constant 16 : index
        %get3A_155 = tpu.vector_load %arg10[%get3A_153, %get3A_154] {strides = array<i32>} : memref<128x32xi32, #tpu.memory_space<vmem>>, vector<1x16xi32>,
        %get3A_156 = vector.shape_cast %get3A_155 : vector<1x16xi32> to vector<16xi32>
        %get3A_157 = arith.index_cast %add3A_149 : i32 to index
        %get3A_158 = arith.constant 0 : index
        %get3A_159 = tpu.vector_load %arg11[%get3A_157, %get3A_158] {strides = array<i32>} : memref<128x32xi32, #tpu.memory_space<vmem>>, vector<1x16xi32>,
        %get3A_160 = vector.shape_cast %get3A_159 : vector<1x16xi32> to vector<16xi32>
        %get3A_161 = arith.index_cast %add3A_149 : i32 to index
        %get3A_162 = arith.constant 16 : index
        %get3A_163 = tpu.vector_load %arg11[%get3A_161, %get3A_162] {strides = array<i32>} : memref<128x32xi32, #tpu.memory_space<vmem>>, vector<1x16xi32>,
        %get3A_164 = vector.shape_cast %get3A_163 : vector<1x16xi32> to vector<16xi32>
        %get3A_165 = arith.index_cast %add3A_149 : i32 to index
        %get3A_166 = arith.constant 0 : index
        %get3A_167 = tpu.vector_load %arg12[%get3A_165, %get3A_166] {strides = array<i32>} : memref<128x32xi32, #tpu.memory_space<vmem>>, vector<1x16xi32>,
        %get3A_168 = vector.shape_cast %get3A_167 : vector<1x16xi32> to vector<16xi32>
        %get3A_169 = arith.index_cast %add3A_149 : i32 to index
        %get3A_170 = arith.constant 16 : index
        %get3A_171 = tpu.vector_load %arg12[%get3A_169, %get3A_170] {strides = array<i32>} : memref<128x32xi32, #tpu.memory_space<vmem>>, vector<1x16xi32>,
        %get3A_172 = vector.shape_cast %get3A_171 : vector<1x16xi32> to vector<16xi32>
        %shift_left3A = arith.constant 16 : i32
        %shift_left3A_173 = vector.broadcast %shift_left3A : i32 to vector<16xi32>
        %shift_left3A_174 = arith.shli %get3A_152, %shift_left3A_173 : vector<16xi32>
        %bitcast_convert_type3A = tpu.bitcast %shift_left3A_174 : vector<16xi32> -> vector<16xf32>
        %and3A = arith.constant -65536 : i32
        %and3A_175 = vector.broadcast %and3A : i32 to vector<16xi32>
        %and3A_176 = arith.andi %get3A_152, %and3A_175 : vector<16xi32>
        %bitcast_convert_type3A_177 = tpu.bitcast %and3A_176 : vector<16xi32> -> vector<16xf32>
        %shift_left3A_178 = arith.constant 16 : i32
        %shift_left3A_179 = vector.broadcast %shift_left3A_178 : i32 to vector<16xi32>
        %shift_left3A_180 = arith.shli %get3A_156, %shift_left3A_179 : vector<16xi32>
        %bitcast_convert_type3A_181 = tpu.bitcast %shift_left3A_180 : vector<16xi32> -> vector<16xf32>
        %shift_left3A_182 = arith.constant 16 : i32
        %shift_left3A_183 = vector.broadcast %shift_left3A_182 : i32 to vector<16xi32>
        %shift_left3A_184 = arith.shli %get3A_160, %shift_left3A_183 : vector<16xi32>
        %bitcast_convert_type3A_185 = tpu.bitcast %shift_left3A_184 : vector<16xi32> -> vector<16xf32>
        %and3A_186 = arith.constant -65536 : i32
        %and3A_187 = vector.broadcast %and3A_186 : i32 to vector<16xi32>
        %and3A_188 = arith.andi %get3A_160, %and3A_187 : vector<16xi32>
        %bitcast_convert_type3A_189 = tpu.bitcast %and3A_188 : vector<16xi32> -> vector<16xf32>
        %shift_left3A_190 = arith.constant 16 : i32
        %shift_left3A_191 = vector.broadcast %shift_left3A_190 : i32 to vector<16xi32>
        %shift_left3A_192 = arith.shli %get3A_164, %shift_left3A_191 : vector<16xi32>
        %bitcast_convert_type3A_193 = tpu.bitcast %shift_left3A_192 : vector<16xi32> -> vector<16xf32>
        %shift_left3A_194 = arith.constant 16 : i32
        %shift_left3A_195 = vector.broadcast %shift_left3A_194 : i32 to vector<16xi32>
        %shift_left3A_196 = arith.shli %get3A_168, %shift_left3A_195 : vector<16xi32>
        %bitcast_convert_type3A_197 = tpu.bitcast %shift_left3A_196 : vector<16xi32> -> vector<16xf32>
        %and3A_198 = arith.constant -65536 : i32
        %and3A_199 = vector.broadcast %and3A_198 : i32 to vector<16xi32>
        %and3A_200 = arith.andi %get3A_168, %and3A_199 : vector<16xi32>
        %bitcast_convert_type3A_201 = tpu.bitcast %and3A_200 : vector<16xi32> -> vector<16xf32>
        %shift_left3A_202 = arith.constant 16 : i32
        %shift_left3A_203 = vector.broadcast %shift_left3A_202 : i32 to vector<16xi32>
        %shift_left3A_204 = arith.shli %get3A_172, %shift_left3A_203 : vector<16xi32>
        %bitcast_convert_type3A_205 = tpu.bitcast %shift_left3A_204 : vector<16xi32> -> vector<16xf32>
        %sub3A = arith.subf %bitcast_convert_type3A_197, %bitcast_convert_type3A : vector<16xf32>
        %sub3A_206 = arith.subf %bitcast_convert_type3A_201, %bitcast_convert_type3A_177 : vector<16xf32>
        %sub3A_207 = arith.subf %bitcast_convert_type3A_205, %bitcast_convert_type3A_181 : vector<16xf32>
        %sub3A_208 = arith.subf %bitcast_convert_type3A, %bitcast_convert_type3A_185 : vector<16xf32>
        %sub3A_209 = arith.subf %bitcast_convert_type3A_177, %bitcast_convert_type3A_189 : vector<16xf32>
        %sub3A_210 = arith.subf %bitcast_convert_type3A_181, %bitcast_convert_type3A_193 : vector<16xf32>
        %mul3A_211 = arith.mulf %sub3A, %sub3A : vector<16xf32>
        %mul3A_212 = arith.mulf %sub3A_206, %sub3A_206 : vector<16xf32>
        %add3A_213 = arith.addf %mul3A_211, %mul3A_212 : vector<16xf32>
        %mul3A_214 = arith.mulf %sub3A_207, %sub3A_207 : vector<16xf32>
        %add3A_215 = arith.addf %add3A_213, %mul3A_214 : vector<16xf32>
        %mul3A_216 = arith.mulf %sub3A_208, %sub3A_208 : vector<16xf32>
        %mul3A_217 = arith.mulf %sub3A_209, %sub3A_209 : vector<16xf32>
        %add3A_218 = arith.addf %mul3A_216, %mul3A_217 : vector<16xf32>
        %mul3A_219 = arith.mulf %sub3A_210, %sub3A_210 : vector<16xf32>
        %add3A_220 = arith.addf %add3A_218, %mul3A_219 : vector<16xf32>
        %mul3A_221 = arith.mulf %sub3A, %sub3A_208 : vector<16xf32>
        %mul3A_222 = arith.mulf %sub3A_206, %sub3A_209 : vector<16xf32>
        %add3A_223 = arith.addf %mul3A_221, %mul3A_222 : vector<16xf32>
        %mul3A_224 = arith.mulf %sub3A_207, %sub3A_210 : vector<16xf32>
        %add3A_225 = arith.addf %add3A_223, %mul3A_224 : vector<16xf32>
        %add3A_226 = arith.addf %add3A_215, %add3A_220 : vector<16xf32>
        %add3A_227 = arith.addf %add3A_225, %add3A_225 : vector<16xf32>
        %add3A_228 = arith.addf %add3A_226, %add3A_227 : vector<16xf32>
        %add3A_229 = arith.addf %add3A_220, %add3A_225 : vector<16xf32>
        %mul3A_230 = arith.mulf %add3A_220, %add3A_228 : vector<16xf32>
        %bitcast_convert_type3A_231 = tpu.bitcast %mul3A_230 : vector<16xf32> -> vector<16xi32>
        %shift_right_arithmetic3A = arith.constant 1 : i32
        %shift_right_arithmetic3A_232 = vector.broadcast %shift_right_arithmetic3A : i32 to vector<16xi32>
        %shift_right_arithmetic3A_233 = arith.shrsi %bitcast_convert_type3A_231, %shift_right_arithmetic3A_232 : vector<16xi32>
        %sub3A_234 = arith.constant 1597463007 : i32
        %sub3A_235 = vector.broadcast %sub3A_234 : i32 to vector<16xi32>
        %sub3A_236 = arith.subi %sub3A_235, %shift_right_arithmetic3A_233 : vector<16xi32>
        %bitcast_convert_type3A_237 = tpu.bitcast %sub3A_236 : vector<16xi32> -> vector<16xf32>
        %mul3A_238 = arith.constant 5.000000e-01 : f32
        %mul3A_239 = vector.broadcast %mul3A_238 : f32 to vector<16xf32>
        %mul3A_240 = arith.mulf %mul3A_239, %mul3A_230 : vector<16xf32>
        %mul3A_241 = arith.mulf %mul3A_240, %bitcast_convert_type3A_237 : vector<16xf32>
        %mul3A_242 = arith.mulf %mul3A_241, %bitcast_convert_type3A_237 : vector<16xf32>
        %sub3A_243 = arith.constant 1.500000e+00 : f32
        %sub3A_244 = vector.broadcast %sub3A_243 : f32 to vector<16xf32>
        %sub3A_245 = arith.subf %sub3A_244, %mul3A_242 : vector<16xf32>
        %mul3A_246 = arith.mulf %bitcast_convert_type3A_237, %sub3A_245 : vector<16xf32>
        %mul3A_247 = arith.mulf %mul3A_240, %mul3A_246 : vector<16xf32>
        %mul3A_248 = arith.mulf %mul3A_247, %mul3A_246 : vector<16xf32>
        %sub3A_249 = arith.constant 1.500000e+00 : f32
        %sub3A_250 = vector.broadcast %sub3A_249 : f32 to vector<16xf32>
        %sub3A_251 = arith.subf %sub3A_250, %mul3A_248 : vector<16xf32>
        %mul3A_252 = arith.mulf %mul3A_246, %sub3A_251 : vector<16xf32>
        %mul3A_253 = arith.mulf %add3A_229, %mul3A_252 : vector<16xf32>
        %add3A_254 = arith.addf %add3A_215, %add3A_225 : vector<16xf32>
        %mul3A_255 = arith.mulf %add3A_228, %add3A_215 : vector<16xf32>
        %bitcast_convert_type3A_256 = tpu.bitcast %mul3A_255 : vector<16xf32> -> vector<16xi32>
        %shift_right_arithmetic3A_257 = arith.constant 1 : i32
        %shift_right_arithmetic3A_258 = vector.broadcast %shift_right_arithmetic3A_257 : i32 to vector<16xi32>
        %shift_right_arithmetic3A_259 = arith.shrsi %bitcast_convert_type3A_256, %shift_right_arithmetic3A_258 : vector<16xi32>
        %sub3A_260 = arith.constant 1597463007 : i32
        %sub3A_261 = vector.broadcast %sub3A_260 : i32 to vector<16xi32>
        %sub3A_262 = arith.subi %sub3A_261, %shift_right_arithmetic3A_259 : vector<16xi32>
        %bitcast_convert_type3A_263 = tpu.bitcast %sub3A_262 : vector<16xi32> -> vector<16xf32>
        %mul3A_264 = arith.constant 5.000000e-01 : f32
        %mul3A_265 = vector.broadcast %mul3A_264 : f32 to vector<16xf32>
        %mul3A_266 = arith.mulf %mul3A_265, %mul3A_255 : vector<16xf32>
        %mul3A_267 = arith.mulf %mul3A_266, %bitcast_convert_type3A_263 : vector<16xf32>
        %mul3A_268 = arith.mulf %mul3A_267, %bitcast_convert_type3A_263 : vector<16xf32>
        %sub3A_269 = arith.constant 1.500000e+00 : f32
        %sub3A_270 = vector.broadcast %sub3A_269 : f32 to vector<16xf32>
        %sub3A_271 = arith.subf %sub3A_270, %mul3A_268 : vector<16xf32>
        %mul3A_272 = arith.mulf %bitcast_convert_type3A_263, %sub3A_271 : vector<16xf32>
        %mul3A_273 = arith.mulf %mul3A_266, %mul3A_272 : vector<16xf32>
        %mul3A_274 = arith.mulf %mul3A_273, %mul3A_272 : vector<16xf32>
        %sub3A_275 = arith.constant 1.500000e+00 : f32
        %sub3A_276 = vector.broadcast %sub3A_275 : f32 to vector<16xf32>
        %sub3A_277 = arith.subf %sub3A_276, %mul3A_274 : vector<16xf32>
        %mul3A_278 = arith.mulf %mul3A_272, %sub3A_277 : vector<16xf32>
        %mul3A_279 = arith.mulf %add3A_254, %mul3A_278 : vector<16xf32>
        %neg3A = arith.constant 0.000000e+00 : f32
        %neg3A_280 = vector.broadcast %neg3A : f32 to vector<16xf32>
        %neg3A_281 = arith.subf %neg3A_280, %add3A_225 : vector<16xf32>
        %mul3A_282 = arith.mulf %add3A_215, %add3A_220 : vector<16xf32>
        %bitcast_convert_type3A_283 = tpu.bitcast %mul3A_282 : vector<16xf32> -> vector<16xi32>
        %shift_right_arithmetic3A_284 = arith.constant 1 : i32
        %shift_right_arithmetic3A_285 = vector.broadcast %shift_right_arithmetic3A_284 : i32 to vector<16xi32>
        %shift_right_arithmetic3A_286 = arith.shrsi %bitcast_convert_type3A_283, %shift_right_arithmetic3A_285 : vector<16xi32>
        %sub3A_287 = arith.constant 1597463007 : i32
        %sub3A_288 = vector.broadcast %sub3A_287 : i32 to vector<16xi32>
        %sub3A_289 = arith.subi %sub3A_288, %shift_right_arithmetic3A_286 : vector<16xi32>
        %bitcast_convert_type3A_290 = tpu.bitcast %sub3A_289 : vector<16xi32> -> vector<16xf32>
        %mul3A_291 = arith.constant 5.000000e-01 : f32
        %mul3A_292 = vector.broadcast %mul3A_291 : f32 to vector<16xf32>
        %mul3A_293 = arith.mulf %mul3A_292, %mul3A_282 : vector<16xf32>
        %mul3A_294 = arith.mulf %mul3A_293, %bitcast_convert_type3A_290 : vector<16xf32>
        %mul3A_295 = arith.mulf %mul3A_294, %bitcast_convert_type3A_290 : vector<16xf32>
        %sub3A_296 = arith.constant 1.500000e+00 : f32
        %sub3A_297 = vector.broadcast %sub3A_296 : f32 to vector<16xf32>
        %sub3A_298 = arith.subf %sub3A_297, %mul3A_295 : vector<16xf32>
        %mul3A_299 = arith.mulf %bitcast_convert_type3A_290, %sub3A_298 : vector<16xf32>
        %mul3A_300 = arith.mulf %mul3A_293, %mul3A_299 : vector<16xf32>
        %mul3A_301 = arith.mulf %mul3A_300, %mul3A_299 : vector<16xf32>
        %sub3A_302 = arith.constant 1.500000e+00 : f32
        %sub3A_303 = vector.broadcast %sub3A_302 : f32 to vector<16xf32>
        %sub3A_304 = arith.subf %sub3A_303, %mul3A_301 : vector<16xf32>
        %mul3A_305 = arith.mulf %mul3A_299, %sub3A_304 : vector<16xf32>
        %mul3A_306 = arith.mulf %neg3A_281, %mul3A_305 : vector<16xf32>
        %neg3A_307 = arith.constant 0.000000e+00 : f32
        %neg3A_308 = arith.constant 1.000000e+00 : f32
        %neg3A_309 = arith.subf %neg3A_307, %neg3A_308 : f32
        %max3A = vector.broadcast %neg3A_309 : f32 to vector<16xf32>
        %max3A_310 = arith.maximumf %mul3A_253, %max3A : vector<16xf32>
        %min3A = arith.constant 1.000000e+00 : f32
        %min3A_311 = vector.broadcast %min3A : f32 to vector<16xf32>
        %min3A_312 = arith.minimumf %max3A_310, %min3A_311 : vector<16xf32>
        %neg3A_313 = arith.constant 0.000000e+00 : f32
        %neg3A_314 = arith.constant 1.000000e+00 : f32
        %neg3A_315 = arith.subf %neg3A_313, %neg3A_314 : f32
        %max3A_316 = vector.broadcast %neg3A_315 : f32 to vector<16xf32>
        %max3A_317 = arith.maximumf %mul3A_279, %max3A_316 : vector<16xf32>
        %min3A_318 = arith.constant 1.000000e+00 : f32
        %min3A_319 = vector.broadcast %min3A_318 : f32 to vector<16xf32>
        %min3A_320 = arith.minimumf %max3A_317, %min3A_319 : vector<16xf32>
        %neg3A_321 = arith.constant 0.000000e+00 : f32
        %neg3A_322 = arith.constant 1.000000e+00 : f32
        %neg3A_323 = arith.subf %neg3A_321, %neg3A_322 : f32
        %max3A_324 = vector.broadcast %neg3A_323 : f32 to vector<16xf32>
        %max3A_325 = arith.maximumf %mul3A_306, %max3A_324 : vector<16xf32>
        %min3A_326 = arith.constant 1.000000e+00 : f32
        %min3A_327 = vector.broadcast %min3A_326 : f32 to vector<16xf32>
        %min3A_328 = arith.minimumf %max3A_325, %min3A_327 : vector<16xf32>
        %abs3A = math.absf %min3A_312 : vector<16xf32>
        %sub3A_329 = arith.constant 1.000000e+00 : f32
        %sub3A_330 = vector.broadcast %sub3A_329 : f32 to vector<16xf32>
        %sub3A_331 = arith.subf %sub3A_330, %abs3A : vector<16xf32>
        %max3A_332 = arith.constant 1.000000e-30 : f32
        %max3A_333 = vector.broadcast %max3A_332 : f32 to vector<16xf32>
        %max3A_334 = arith.maximumf %sub3A_331, %max3A_333 : vector<16xf32>
        %bitcast_convert_type3A_335 = tpu.bitcast %max3A_334 : vector<16xf32> -> vector<16xi32>
        %shift_right_arithmetic3A_336 = arith.constant 1 : i32
        %shift_right_arithmetic3A_337 = vector.broadcast %shift_right_arithmetic3A_336 : i32 to vector<16xi32>
        %shift_right_arithmetic3A_338 = arith.shrsi %bitcast_convert_type3A_335, %shift_right_arithmetic3A_337 : vector<16xi32>
        %sub3A_339 = arith.constant 1597463007 : i32
        %sub3A_340 = vector.broadcast %sub3A_339 : i32 to vector<16xi32>
        %sub3A_341 = arith.subi %sub3A_340, %shift_right_arithmetic3A_338 : vector<16xi32>
        %bitcast_convert_type3A_342 = tpu.bitcast %sub3A_341 : vector<16xi32> -> vector<16xf32>
        %mul3A_343 = arith.constant 5.000000e-01 : f32
        %mul3A_344 = vector.broadcast %mul3A_343 : f32 to vector<16xf32>
        %mul3A_345 = arith.mulf %mul3A_344, %max3A_334 : vector<16xf32>
        %mul3A_346 = arith.mulf %mul3A_345, %bitcast_convert_type3A_342 : vector<16xf32>
        %mul3A_347 = arith.mulf %mul3A_346, %bitcast_convert_type3A_342 : vector<16xf32>
        %sub3A_348 = arith.constant 1.500000e+00 : f32
        %sub3A_349 = vector.broadcast %sub3A_348 : f32 to vector<16xf32>
        %sub3A_350 = arith.subf %sub3A_349, %mul3A_347 : vector<16xf32>
        %mul3A_351 = arith.mulf %bitcast_convert_type3A_342, %sub3A_350 : vector<16xf32>
        %mul3A_352 = arith.mulf %sub3A_331, %mul3A_351 : vector<16xf32>
        %mul3A_353 = arith.constant -1.872930e-02 : f32
        %mul3A_354 = vector.broadcast %mul3A_353 : f32 to vector<16xf32>
        %mul3A_355 = arith.mulf %mul3A_354, %abs3A : vector<16xf32>
        %add3A_356 = arith.constant 7.426100e-02 : f32
        %add3A_357 = vector.broadcast %add3A_356 : f32 to vector<16xf32>
        %add3A_358 = arith.addf %mul3A_355, %add3A_357 : vector<16xf32>
        %mul3A_359 = arith.mulf %add3A_358, %abs3A : vector<16xf32>
        %add3A_360 = arith.constant -0.212114394 : f32
        %add3A_361 = vector.broadcast %add3A_360 : f32 to vector<16xf32>
        %add3A_362 = arith.addf %mul3A_359, %add3A_361 : vector<16xf32>
        %mul3A_363 = arith.mulf %add3A_362, %abs3A : vector<16xf32>
        %add3A_364 = arith.constant 1.57072878 : f32
        %add3A_365 = vector.broadcast %add3A_364 : f32 to vector<16xf32>
        %add3A_366 = arith.addf %mul3A_363, %add3A_365 : vector<16xf32>
        %mul3A_367 = arith.mulf %mul3A_352, %add3A_366 : vector<16xf32>
        %lt3A = arith.constant 0.000000e+00 : f32
        %lt3A_368 = vector.broadcast %lt3A : f32 to vector<16xf32>
        %lt3A_369 = arith.cmpf olt, %min3A_312, %lt3A_368 : vector<16xf32>
        %sub3A_370 = arith.constant 3.14159274 : f32
        %sub3A_371 = vector.broadcast %sub3A_370 : f32 to vector<16xf32>
        %sub3A_372 = arith.subf %sub3A_371, %mul3A_367 : vector<16xf32>
        %select_n3A = arith.select %lt3A_369, %sub3A_372, %mul3A_367 : vector<16xi1>, vector<16xf32>
        %swap3A = arith.index_cast %add3A_149 : i32 to index
        %swap3A_373 = arith.constant 0 : index
        %swap3A_374 = tpu.vector_load %arg16[%swap3A, %swap3A_373] {strides = array<i32>} : memref<128x48xf32, #tpu.memory_space<vmem>>, vector<1x16xf32>,
        %swap3A_375 = vector.shape_cast %swap3A_374 : vector<1x16xf32> to vector<16xf32>
        %swap3A_376 = vector.shape_cast %select_n3A : vector<16xf32> to vector<1x16xf32>
        tpu.vector_store %arg16[%swap3A, %swap3A_373], %swap3A_376 {strides = array<i32>} : memref<128x48xf32, #tpu.memory_space<vmem>>, vector<1x16xf32>,
        %abs3A_377 = math.absf %min3A_320 : vector<16xf32>
        %sub3A_378 = arith.constant 1.000000e+00 : f32
        %sub3A_379 = vector.broadcast %sub3A_378 : f32 to vector<16xf32>
        %sub3A_380 = arith.subf %sub3A_379, %abs3A_377 : vector<16xf32>
        %max3A_381 = arith.constant 1.000000e-30 : f32
        %max3A_382 = vector.broadcast %max3A_381 : f32 to vector<16xf32>
        %max3A_383 = arith.maximumf %sub3A_380, %max3A_382 : vector<16xf32>
        %bitcast_convert_type3A_384 = tpu.bitcast %max3A_383 : vector<16xf32> -> vector<16xi32>
        %shift_right_arithmetic3A_385 = arith.constant 1 : i32
        %shift_right_arithmetic3A_386 = vector.broadcast %shift_right_arithmetic3A_385 : i32 to vector<16xi32>
        %shift_right_arithmetic3A_387 = arith.shrsi %bitcast_convert_type3A_384, %shift_right_arithmetic3A_386 : vector<16xi32>
        %sub3A_388 = arith.constant 1597463007 : i32
        %sub3A_389 = vector.broadcast %sub3A_388 : i32 to vector<16xi32>
        %sub3A_390 = arith.subi %sub3A_389, %shift_right_arithmetic3A_387 : vector<16xi32>
        %bitcast_convert_type3A_391 = tpu.bitcast %sub3A_390 : vector<16xi32> -> vector<16xf32>
        %mul3A_392 = arith.constant 5.000000e-01 : f32
        %mul3A_393 = vector.broadcast %mul3A_392 : f32 to vector<16xf32>
        %mul3A_394 = arith.mulf %mul3A_393, %max3A_383 : vector<16xf32>
        %mul3A_395 = arith.mulf %mul3A_394, %bitcast_convert_type3A_391 : vector<16xf32>
        %mul3A_396 = arith.mulf %mul3A_395, %bitcast_convert_type3A_391 : vector<16xf32>
        %sub3A_397 = arith.constant 1.500000e+00 : f32
        %sub3A_398 = vector.broadcast %sub3A_397 : f32 to vector<16xf32>
        %sub3A_399 = arith.subf %sub3A_398, %mul3A_396 : vector<16xf32>
        %mul3A_400 = arith.mulf %bitcast_convert_type3A_391, %sub3A_399 : vector<16xf32>
        %mul3A_401 = arith.mulf %sub3A_380, %mul3A_400 : vector<16xf32>
        %mul3A_402 = arith.constant -1.872930e-02 : f32
        %mul3A_403 = vector.broadcast %mul3A_402 : f32 to vector<16xf32>
        %mul3A_404 = arith.mulf %mul3A_403, %abs3A_377 : vector<16xf32>
        %add3A_405 = arith.constant 7.426100e-02 : f32
        %add3A_406 = vector.broadcast %add3A_405 : f32 to vector<16xf32>
        %add3A_407 = arith.addf %mul3A_404, %add3A_406 : vector<16xf32>
        %mul3A_408 = arith.mulf %add3A_407, %abs3A_377 : vector<16xf32>
        %add3A_409 = arith.constant -0.212114394 : f32
        %add3A_410 = vector.broadcast %add3A_409 : f32 to vector<16xf32>
        %add3A_411 = arith.addf %mul3A_408, %add3A_410 : vector<16xf32>
        %mul3A_412 = arith.mulf %add3A_411, %abs3A_377 : vector<16xf32>
        %add3A_413 = arith.constant 1.57072878 : f32
        %add3A_414 = vector.broadcast %add3A_413 : f32 to vector<16xf32>
        %add3A_415 = arith.addf %mul3A_412, %add3A_414 : vector<16xf32>
        %mul3A_416 = arith.mulf %mul3A_401, %add3A_415 : vector<16xf32>
        %lt3A_417 = arith.constant 0.000000e+00 : f32
        %lt3A_418 = vector.broadcast %lt3A_417 : f32 to vector<16xf32>
        %lt3A_419 = arith.cmpf olt, %min3A_320, %lt3A_418 : vector<16xf32>
        %sub3A_420 = arith.constant 3.14159274 : f32
        %sub3A_421 = vector.broadcast %sub3A_420 : f32 to vector<16xf32>
        %sub3A_422 = arith.subf %sub3A_421, %mul3A_416 : vector<16xf32>
        %select_n3A_423 = arith.select %lt3A_419, %sub3A_422, %mul3A_416 : vector<16xi1>, vector<16xf32>
        %swap3A_424 = arith.index_cast %add3A_149 : i32 to index
        %swap3A_425 = arith.constant 16 : index
        %swap3A_426 = tpu.vector_load %arg16[%swap3A_424, %swap3A_425] {strides = array<i32>} : memref<128x48xf32, #tpu.memory_space<vmem>>, vector<1x16xf32>,
        %swap3A_427 = vector.shape_cast %swap3A_426 : vector<1x16xf32> to vector<16xf32>
        %swap3A_428 = vector.shape_cast %select_n3A_423 : vector<16xf32> to vector<1x16xf32>
        tpu.vector_store %arg16[%swap3A_424, %swap3A_425], %swap3A_428 {strides = array<i32>} : memref<128x48xf32, #tpu.memory_space<vmem>>, vector<1x16xf32>,
        %abs3A_429 = math.absf %min3A_328 : vector<16xf32>
        %sub3A_430 = arith.constant 1.000000e+00 : f32
        %sub3A_431 = vector.broadcast %sub3A_430 : f32 to vector<16xf32>
        %sub3A_432 = arith.subf %sub3A_431, %abs3A_429 : vector<16xf32>
        %max3A_433 = arith.constant 1.000000e-30 : f32
        %max3A_434 = vector.broadcast %max3A_433 : f32 to vector<16xf32>
        %max3A_435 = arith.maximumf %sub3A_432, %max3A_434 : vector<16xf32>
        %bitcast_convert_type3A_436 = tpu.bitcast %max3A_435 : vector<16xf32> -> vector<16xi32>
        %shift_right_arithmetic3A_437 = arith.constant 1 : i32
        %shift_right_arithmetic3A_438 = vector.broadcast %shift_right_arithmetic3A_437 : i32 to vector<16xi32>
        %shift_right_arithmetic3A_439 = arith.shrsi %bitcast_convert_type3A_436, %shift_right_arithmetic3A_438 : vector<16xi32>
        %sub3A_440 = arith.constant 1597463007 : i32
        %sub3A_441 = vector.broadcast %sub3A_440 : i32 to vector<16xi32>
        %sub3A_442 = arith.subi %sub3A_441, %shift_right_arithmetic3A_439 : vector<16xi32>
        %bitcast_convert_type3A_443 = tpu.bitcast %sub3A_442 : vector<16xi32> -> vector<16xf32>
        %mul3A_444 = arith.constant 5.000000e-01 : f32
        %mul3A_445 = vector.broadcast %mul3A_444 : f32 to vector<16xf32>
        %mul3A_446 = arith.mulf %mul3A_445, %max3A_435 : vector<16xf32>
        %mul3A_447 = arith.mulf %mul3A_446, %bitcast_convert_type3A_443 : vector<16xf32>
        %mul3A_448 = arith.mulf %mul3A_447, %bitcast_convert_type3A_443 : vector<16xf32>
        %sub3A_449 = arith.constant 1.500000e+00 : f32
        %sub3A_450 = vector.broadcast %sub3A_449 : f32 to vector<16xf32>
        %sub3A_451 = arith.subf %sub3A_450, %mul3A_448 : vector<16xf32>
        %mul3A_452 = arith.mulf %bitcast_convert_type3A_443, %sub3A_451 : vector<16xf32>
        %mul3A_453 = arith.mulf %sub3A_432, %mul3A_452 : vector<16xf32>
        %mul3A_454 = arith.constant -1.872930e-02 : f32
        %mul3A_455 = vector.broadcast %mul3A_454 : f32 to vector<16xf32>
        %mul3A_456 = arith.mulf %mul3A_455, %abs3A_429 : vector<16xf32>
        %add3A_457 = arith.constant 7.426100e-02 : f32
        %add3A_458 = vector.broadcast %add3A_457 : f32 to vector<16xf32>
        %add3A_459 = arith.addf %mul3A_456, %add3A_458 : vector<16xf32>
        %mul3A_460 = arith.mulf %add3A_459, %abs3A_429 : vector<16xf32>
        %add3A_461 = arith.constant -0.212114394 : f32
        %add3A_462 = vector.broadcast %add3A_461 : f32 to vector<16xf32>
        %add3A_463 = arith.addf %mul3A_460, %add3A_462 : vector<16xf32>
        %mul3A_464 = arith.mulf %add3A_463, %abs3A_429 : vector<16xf32>
        %add3A_465 = arith.constant 1.57072878 : f32
        %add3A_466 = vector.broadcast %add3A_465 : f32 to vector<16xf32>
        %add3A_467 = arith.addf %mul3A_464, %add3A_466 : vector<16xf32>
        %mul3A_468 = arith.mulf %mul3A_453, %add3A_467 : vector<16xf32>
        %lt3A_469 = arith.constant 0.000000e+00 : f32
        %lt3A_470 = vector.broadcast %lt3A_469 : f32 to vector<16xf32>
        %lt3A_471 = arith.cmpf olt, %min3A_328, %lt3A_470 : vector<16xf32>
        %sub3A_472 = arith.constant 3.14159274 : f32
        %sub3A_473 = vector.broadcast %sub3A_472 : f32 to vector<16xf32>
        %sub3A_474 = arith.subf %sub3A_473, %mul3A_468 : vector<16xf32>
        %select_n3A_475 = arith.select %lt3A_471, %sub3A_474, %mul3A_468 : vector<16xi1>, vector<16xf32>
        %swap3A_476 = arith.index_cast %add3A_149 : i32 to index
        %swap3A_477 = arith.constant 32 : index
        %swap3A_478 = tpu.vector_load %arg16[%swap3A_476, %swap3A_477] {strides = array<i32>} : memref<128x48xf32, #tpu.memory_space<vmem>>, vector<1x16xf32>,
        %swap3A_479 = vector.shape_cast %swap3A_478 : vector<1x16xf32> to vector<16xf32>
        %swap3A_480 = vector.shape_cast %select_n3A_475 : vector<16xf32> to vector<1x16xf32>
        tpu.vector_store %arg16[%swap3A_476, %swap3A_477], %swap3A_480 {strides = array<i32>} : memref<128x48xf32, #tpu.memory_space<vmem>>, vector<1x16xf32>,
      }
      %scan3A_89 = arith.constant 128 : i32
      %mul3A_90 = arith.constant 128 : i32
      %mul3A_91 = arith.muli %mul3A_49, %mul3A_90 : i32
      %add3A_92 = arith.addi %mul3A_2, %mul3A_91 : i32
      %dma_start3A_93 = arith.constant 0 : i32
      %dma_start3A_94 = tpu.memref_slice %arg6[%add3A_92, %dma_start3A_93] : memref<204800x48xf32, #tpu.memory_space<hbm>> -> memref<128x48xf32, #tpu.memory_space<hbm>>
      %dma_start3A_95 = arith.constant 0 : i32
      %dma_start3A_96 = tpu.memref_slice %arg6[%add3A_92, %dma_start3A_95] : memref<204800x48xf32, #tpu.memory_space<hbm>> -> memref<128x48xf32, #tpu.memory_space<hbm>>
      tpu.enqueue_dma source(%arg16 : memref<128x48xf32, #tpu.memory_space<vmem>>) target(%dma_start3A_96 : memref<128x48xf32, #tpu.memory_space<hbm>>) target_semaphore(%arg20 : memref<!tpu.dma_semaphore, #tpu.memory_space<semaphore_mem>>)
      %dma_wait3A_97 = arith.constant 0 : i32
      %dma_wait3A_98 = tpu.memref_slice %arg7[%dma_wait3A_97] : memref<6528xi32, #tpu.memory_space<vmem>> -> memref<128xi32, #tpu.memory_space<vmem>>
      %dma_wait3A_99 = arith.constant 0 : i32
      %dma_wait3A_100 = arith.constant 0 : i32
      %dma_wait3A_101 = tpu.memref_slice %arg2[%dma_wait3A_99, %dma_wait3A_100] : memref<100000x32xi32, #tpu.memory_space<hbm>> -> memref<100000x32xi32, #tpu.memory_space<hbm>>
      tpu.wait_indirect_dma semaphore(%arg19 : memref<!tpu.dma_semaphore, #tpu.memory_space<semaphore_mem>>) src(%dma_wait3A_101 : memref<100000x32xi32, #tpu.memory_space<hbm>>) dst(%arg13 : memref<128x32xi32, #tpu.memory_space<vmem>>)
      %dma_wait3A_102 = arith.constant 0 : i32
      %dma_wait3A_103 = tpu.memref_slice %arg8[%dma_wait3A_102] : memref<6528xi32, #tpu.memory_space<vmem>> -> memref<128xi32, #tpu.memory_space<vmem>>
      %dma_wait3A_104 = arith.constant 0 : i32
      %dma_wait3A_105 = arith.constant 0 : i32
      %dma_wait3A_106 = tpu.memref_slice %arg2[%dma_wait3A_104, %dma_wait3A_105] : memref<100000x32xi32, #tpu.memory_space<hbm>> -> memref<100000x32xi32, #tpu.memory_space<hbm>>
      tpu.wait_indirect_dma semaphore(%arg19 : memref<!tpu.dma_semaphore, #tpu.memory_space<semaphore_mem>>) src(%dma_wait3A_106 : memref<100000x32xi32, #tpu.memory_space<hbm>>) dst(%arg14 : memref<128x32xi32, #tpu.memory_space<vmem>>)
      %dma_wait3A_107 = arith.constant 0 : i32
      %dma_wait3A_108 = tpu.memref_slice %arg9[%dma_wait3A_107] : memref<6528xi32, #tpu.memory_space<vmem>> -> memref<128xi32, #tpu.memory_space<vmem>>
      %dma_wait3A_109 = arith.constant 0 : i32
      %dma_wait3A_110 = arith.constant 0 : i32
      %dma_wait3A_111 = tpu.memref_slice %arg2[%dma_wait3A_109, %dma_wait3A_110] : memref<100000x32xi32, #tpu.memory_space<hbm>> -> memref<100000x32xi32, #tpu.memory_space<hbm>>
      tpu.wait_indirect_dma semaphore(%arg19 : memref<!tpu.dma_semaphore, #tpu.memory_space<semaphore_mem>>) src(%dma_wait3A_111 : memref<100000x32xi32, #tpu.memory_space<hbm>>) dst(%arg15 : memref<128x32xi32, #tpu.memory_space<vmem>>)
      %add3A_112 = arith.constant 1 : i32
      %add3A_113 = arith.addi %add3A_53, %add3A_112 : i32
      %mul3A_114 = arith.constant 128 : i32
      %mul3A_115 = arith.muli %add3A_113, %mul3A_114 : i32
      %dma_start3A_116 = tpu.memref_slice %arg7[%mul3A_115] : memref<6528xi32, #tpu.memory_space<vmem>> -> memref<128xi32, #tpu.memory_space<vmem>>
      %dma_start3A_117 = arith.constant 0 : i32
      %dma_start3A_118 = arith.constant 0 : i32
      %dma_start3A_119 = tpu.memref_slice %arg2[%dma_start3A_117, %dma_start3A_118] : memref<100000x32xi32, #tpu.memory_space<hbm>> -> memref<100000x32xi32, #tpu.memory_space<hbm>>
      tpu.enqueue_indirect_dma source(%dma_start3A_119 : memref<100000x32xi32, #tpu.memory_space<hbm>>) target(%arg10 : memref<128x32xi32, #tpu.memory_space<vmem>>) offsets(%dma_start3A_116 : memref<128xi32, #tpu.memory_space<vmem>>) semaphore(%arg18 : memref<!tpu.dma_semaphore, #tpu.memory_space<semaphore_mem>>)
      %dma_start3A_120 = tpu.memref_slice %arg8[%mul3A_115] : memref<6528xi32, #tpu.memory_space<vmem>> -> memref<128xi32, #tpu.memory_space<vmem>>
      %dma_start3A_121 = arith.constant 0 : i32
      %dma_start3A_122 = arith.constant 0 : i32
      %dma_start3A_123 = tpu.memref_slice %arg2[%dma_start3A_121, %dma_start3A_122] : memref<100000x32xi32, #tpu.memory_space<hbm>> -> memref<100000x32xi32, #tpu.memory_space<hbm>>
      tpu.enqueue_indirect_dma source(%dma_start3A_123 : memref<100000x32xi32, #tpu.memory_space<hbm>>) target(%arg11 : memref<128x32xi32, #tpu.memory_space<vmem>>) offsets(%dma_start3A_120 : memref<128xi32, #tpu.memory_space<vmem>>) semaphore(%arg18 : memref<!tpu.dma_semaphore, #tpu.memory_space<semaphore_mem>>)
      %dma_start3A_124 = tpu.memref_slice %arg9[%mul3A_115] : memref<6528xi32, #tpu.memory_space<vmem>> -> memref<128xi32, #tpu.memory_space<vmem>>
      %dma_start3A_125 = arith.constant 0 : i32
      %dma_start3A_126 = arith.constant 0 : i32
      %dma_start3A_127 = tpu.memref_slice %arg2[%dma_start3A_125, %dma_start3A_126] : memref<100000x32xi32, #tpu.memory_space<hbm>> -> memref<100000x32xi32, #tpu.memory_space<hbm>>
      tpu.enqueue_indirect_dma source(%dma_start3A_127 : memref<100000x32xi32, #tpu.memory_space<hbm>>) target(%arg12 : memref<128x32xi32, #tpu.memory_space<vmem>>) offsets(%dma_start3A_124 : memref<128xi32, #tpu.memory_space<vmem>>) semaphore(%arg18 : memref<!tpu.dma_semaphore, #tpu.memory_space<semaphore_mem>>)
      %gt3A_128 = arith.constant 0 : i32
      %gt3A_129 = arith.cmpi sgt, %add3A_47, %gt3A_128 : i32
      %convert_element_type3A_130 = arith.extui %gt3A_129 : i1 to i32
      %cond3A_131 = arith.constant 0 : i32
      %cond3A_132 = arith.cmpi ne, %convert_element_type3A_130, %cond3A_131 : i32
      scf.if %cond3A_132 {
        %dma_wait3A_145 = arith.constant 0 : i32
        %dma_wait3A_146 = tpu.memref_slice %arg6[%mul3A_2, %dma_wait3A_145] : memref<204800x48xf32, #tpu.memory_space<hbm>> -> memref<128x48xf32, #tpu.memory_space<hbm>>
        %dma_wait3A_147 = arith.constant 0 : i32
        %dma_wait3A_148 = tpu.memref_slice %arg6[%mul3A_2, %dma_wait3A_147] : memref<204800x48xf32, #tpu.memory_space<hbm>> -> memref<128x48xf32, #tpu.memory_space<hbm>>
        tpu.wait_dma2 semaphore(%arg21 : memref<!tpu.dma_semaphore, #tpu.memory_space<semaphore_mem>>) src(%arg17 : memref<128x48xf32, #tpu.memory_space<vmem>>) dst(%dma_wait3A_148 : memref<128x48xf32, #tpu.memory_space<hbm>>)
      } else {
      }
      %scan3A_133 = arith.constant 0 : i32
      %scan3A_134 = arith.constant 128 : i32
      %scan3A_135 = arith.addi %scan3A_133, %scan3A_134 : i32
      %scan3A_136 = arith.constant 1 : i32
      scf.for %scan3A_145 = %scan3A_133 to %scan3A_135 step %scan3A_136  : i32 {
        %mul3A_146 = arith.constant 1 : i32
        %mul3A_147 = arith.muli %scan3A_145, %mul3A_146 : i32
        %add3A_148 = arith.constant 0 : i32
        %add3A_149 = arith.addi %add3A_148, %mul3A_147 : i32
        %get3A = arith.index_cast %add3A_149 : i32 to index
        %get3A_150 = arith.constant 0 : index
        %get3A_151 = tpu.vector_load %arg13[%get3A, %get3A_150] {strides = array<i32>} : memref<128x32xi32, #tpu.memory_space<vmem>>, vector<1x16xi32>,
        %get3A_152 = vector.shape_cast %get3A_151 : vector<1x16xi32> to vector<16xi32>
        %get3A_153 = arith.index_cast %add3A_149 : i32 to index
        %get3A_154 = arith.constant 16 : index
        %get3A_155 = tpu.vector_load %arg13[%get3A_153, %get3A_154] {strides = array<i32>} : memref<128x32xi32, #tpu.memory_space<vmem>>, vector<1x16xi32>,
        %get3A_156 = vector.shape_cast %get3A_155 : vector<1x16xi32> to vector<16xi32>
        %get3A_157 = arith.index_cast %add3A_149 : i32 to index
        %get3A_158 = arith.constant 0 : index
        %get3A_159 = tpu.vector_load %arg14[%get3A_157, %get3A_158] {strides = array<i32>} : memref<128x32xi32, #tpu.memory_space<vmem>>, vector<1x16xi32>,
        %get3A_160 = vector.shape_cast %get3A_159 : vector<1x16xi32> to vector<16xi32>
        %get3A_161 = arith.index_cast %add3A_149 : i32 to index
        %get3A_162 = arith.constant 16 : index
        %get3A_163 = tpu.vector_load %arg14[%get3A_161, %get3A_162] {strides = array<i32>} : memref<128x32xi32, #tpu.memory_space<vmem>>, vector<1x16xi32>,
        %get3A_164 = vector.shape_cast %get3A_163 : vector<1x16xi32> to vector<16xi32>
        %get3A_165 = arith.index_cast %add3A_149 : i32 to index
        %get3A_166 = arith.constant 0 : index
        %get3A_167 = tpu.vector_load %arg15[%get3A_165, %get3A_166] {strides = array<i32>} : memref<128x32xi32, #tpu.memory_space<vmem>>, vector<1x16xi32>,
        %get3A_168 = vector.shape_cast %get3A_167 : vector<1x16xi32> to vector<16xi32>
        %get3A_169 = arith.index_cast %add3A_149 : i32 to index
        %get3A_170 = arith.constant 16 : index
        %get3A_171 = tpu.vector_load %arg15[%get3A_169, %get3A_170] {strides = array<i32>} : memref<128x32xi32, #tpu.memory_space<vmem>>, vector<1x16xi32>,
        %get3A_172 = vector.shape_cast %get3A_171 : vector<1x16xi32> to vector<16xi32>
        %shift_left3A = arith.constant 16 : i32
        %shift_left3A_173 = vector.broadcast %shift_left3A : i32 to vector<16xi32>
        %shift_left3A_174 = arith.shli %get3A_152, %shift_left3A_173 : vector<16xi32>
        %bitcast_convert_type3A = tpu.bitcast %shift_left3A_174 : vector<16xi32> -> vector<16xf32>
        %and3A = arith.constant -65536 : i32
        %and3A_175 = vector.broadcast %and3A : i32 to vector<16xi32>
        %and3A_176 = arith.andi %get3A_152, %and3A_175 : vector<16xi32>
        %bitcast_convert_type3A_177 = tpu.bitcast %and3A_176 : vector<16xi32> -> vector<16xf32>
        %shift_left3A_178 = arith.constant 16 : i32
        %shift_left3A_179 = vector.broadcast %shift_left3A_178 : i32 to vector<16xi32>
        %shift_left3A_180 = arith.shli %get3A_156, %shift_left3A_179 : vector<16xi32>
        %bitcast_convert_type3A_181 = tpu.bitcast %shift_left3A_180 : vector<16xi32> -> vector<16xf32>
        %shift_left3A_182 = arith.constant 16 : i32
        %shift_left3A_183 = vector.broadcast %shift_left3A_182 : i32 to vector<16xi32>
        %shift_left3A_184 = arith.shli %get3A_160, %shift_left3A_183 : vector<16xi32>
        %bitcast_convert_type3A_185 = tpu.bitcast %shift_left3A_184 : vector<16xi32> -> vector<16xf32>
        %and3A_186 = arith.constant -65536 : i32
        %and3A_187 = vector.broadcast %and3A_186 : i32 to vector<16xi32>
        %and3A_188 = arith.andi %get3A_160, %and3A_187 : vector<16xi32>
        %bitcast_convert_type3A_189 = tpu.bitcast %and3A_188 : vector<16xi32> -> vector<16xf32>
        %shift_left3A_190 = arith.constant 16 : i32
        %shift_left3A_191 = vector.broadcast %shift_left3A_190 : i32 to vector<16xi32>
        %shift_left3A_192 = arith.shli %get3A_164, %shift_left3A_191 : vector<16xi32>
        %bitcast_convert_type3A_193 = tpu.bitcast %shift_left3A_192 : vector<16xi32> -> vector<16xf32>
        %shift_left3A_194 = arith.constant 16 : i32
        %shift_left3A_195 = vector.broadcast %shift_left3A_194 : i32 to vector<16xi32>
        %shift_left3A_196 = arith.shli %get3A_168, %shift_left3A_195 : vector<16xi32>
        %bitcast_convert_type3A_197 = tpu.bitcast %shift_left3A_196 : vector<16xi32> -> vector<16xf32>
        %and3A_198 = arith.constant -65536 : i32
        %and3A_199 = vector.broadcast %and3A_198 : i32 to vector<16xi32>
        %and3A_200 = arith.andi %get3A_168, %and3A_199 : vector<16xi32>
        %bitcast_convert_type3A_201 = tpu.bitcast %and3A_200 : vector<16xi32> -> vector<16xf32>
        %shift_left3A_202 = arith.constant 16 : i32
        %shift_left3A_203 = vector.broadcast %shift_left3A_202 : i32 to vector<16xi32>
        %shift_left3A_204 = arith.shli %get3A_172, %shift_left3A_203 : vector<16xi32>
        %bitcast_convert_type3A_205 = tpu.bitcast %shift_left3A_204 : vector<16xi32> -> vector<16xf32>
        %sub3A = arith.subf %bitcast_convert_type3A_197, %bitcast_convert_type3A : vector<16xf32>
        %sub3A_206 = arith.subf %bitcast_convert_type3A_201, %bitcast_convert_type3A_177 : vector<16xf32>
        %sub3A_207 = arith.subf %bitcast_convert_type3A_205, %bitcast_convert_type3A_181 : vector<16xf32>
        %sub3A_208 = arith.subf %bitcast_convert_type3A, %bitcast_convert_type3A_185 : vector<16xf32>
        %sub3A_209 = arith.subf %bitcast_convert_type3A_177, %bitcast_convert_type3A_189 : vector<16xf32>
        %sub3A_210 = arith.subf %bitcast_convert_type3A_181, %bitcast_convert_type3A_193 : vector<16xf32>
        %mul3A_211 = arith.mulf %sub3A, %sub3A : vector<16xf32>
        %mul3A_212 = arith.mulf %sub3A_206, %sub3A_206 : vector<16xf32>
        %add3A_213 = arith.addf %mul3A_211, %mul3A_212 : vector<16xf32>
        %mul3A_214 = arith.mulf %sub3A_207, %sub3A_207 : vector<16xf32>
        %add3A_215 = arith.addf %add3A_213, %mul3A_214 : vector<16xf32>
        %mul3A_216 = arith.mulf %sub3A_208, %sub3A_208 : vector<16xf32>
        %mul3A_217 = arith.mulf %sub3A_209, %sub3A_209 : vector<16xf32>
        %add3A_218 = arith.addf %mul3A_216, %mul3A_217 : vector<16xf32>
        %mul3A_219 = arith.mulf %sub3A_210, %sub3A_210 : vector<16xf32>
        %add3A_220 = arith.addf %add3A_218, %mul3A_219 : vector<16xf32>
        %mul3A_221 = arith.mulf %sub3A, %sub3A_208 : vector<16xf32>
        %mul3A_222 = arith.mulf %sub3A_206, %sub3A_209 : vector<16xf32>
        %add3A_223 = arith.addf %mul3A_221, %mul3A_222 : vector<16xf32>
        %mul3A_224 = arith.mulf %sub3A_207, %sub3A_210 : vector<16xf32>
        %add3A_225 = arith.addf %add3A_223, %mul3A_224 : vector<16xf32>
        %add3A_226 = arith.addf %add3A_215, %add3A_220 : vector<16xf32>
        %add3A_227 = arith.addf %add3A_225, %add3A_225 : vector<16xf32>
        %add3A_228 = arith.addf %add3A_226, %add3A_227 : vector<16xf32>
        %add3A_229 = arith.addf %add3A_220, %add3A_225 : vector<16xf32>
        %mul3A_230 = arith.mulf %add3A_220, %add3A_228 : vector<16xf32>
        %bitcast_convert_type3A_231 = tpu.bitcast %mul3A_230 : vector<16xf32> -> vector<16xi32>
        %shift_right_arithmetic3A = arith.constant 1 : i32
        %shift_right_arithmetic3A_232 = vector.broadcast %shift_right_arithmetic3A : i32 to vector<16xi32>
        %shift_right_arithmetic3A_233 = arith.shrsi %bitcast_convert_type3A_231, %shift_right_arithmetic3A_232 : vector<16xi32>
        %sub3A_234 = arith.constant 1597463007 : i32
        %sub3A_235 = vector.broadcast %sub3A_234 : i32 to vector<16xi32>
        %sub3A_236 = arith.subi %sub3A_235, %shift_right_arithmetic3A_233 : vector<16xi32>
        %bitcast_convert_type3A_237 = tpu.bitcast %sub3A_236 : vector<16xi32> -> vector<16xf32>
        %mul3A_238 = arith.constant 5.000000e-01 : f32
        %mul3A_239 = vector.broadcast %mul3A_238 : f32 to vector<16xf32>
        %mul3A_240 = arith.mulf %mul3A_239, %mul3A_230 : vector<16xf32>
        %mul3A_241 = arith.mulf %mul3A_240, %bitcast_convert_type3A_237 : vector<16xf32>
        %mul3A_242 = arith.mulf %mul3A_241, %bitcast_convert_type3A_237 : vector<16xf32>
        %sub3A_243 = arith.constant 1.500000e+00 : f32
        %sub3A_244 = vector.broadcast %sub3A_243 : f32 to vector<16xf32>
        %sub3A_245 = arith.subf %sub3A_244, %mul3A_242 : vector<16xf32>
        %mul3A_246 = arith.mulf %bitcast_convert_type3A_237, %sub3A_245 : vector<16xf32>
        %mul3A_247 = arith.mulf %mul3A_240, %mul3A_246 : vector<16xf32>
        %mul3A_248 = arith.mulf %mul3A_247, %mul3A_246 : vector<16xf32>
        %sub3A_249 = arith.constant 1.500000e+00 : f32
        %sub3A_250 = vector.broadcast %sub3A_249 : f32 to vector<16xf32>
        %sub3A_251 = arith.subf %sub3A_250, %mul3A_248 : vector<16xf32>
        %mul3A_252 = arith.mulf %mul3A_246, %sub3A_251 : vector<16xf32>
        %mul3A_253 = arith.mulf %add3A_229, %mul3A_252 : vector<16xf32>
        %add3A_254 = arith.addf %add3A_215, %add3A_225 : vector<16xf32>
        %mul3A_255 = arith.mulf %add3A_228, %add3A_215 : vector<16xf32>
        %bitcast_convert_type3A_256 = tpu.bitcast %mul3A_255 : vector<16xf32> -> vector<16xi32>
        %shift_right_arithmetic3A_257 = arith.constant 1 : i32
        %shift_right_arithmetic3A_258 = vector.broadcast %shift_right_arithmetic3A_257 : i32 to vector<16xi32>
        %shift_right_arithmetic3A_259 = arith.shrsi %bitcast_convert_type3A_256, %shift_right_arithmetic3A_258 : vector<16xi32>
        %sub3A_260 = arith.constant 1597463007 : i32
        %sub3A_261 = vector.broadcast %sub3A_260 : i32 to vector<16xi32>
        %sub3A_262 = arith.subi %sub3A_261, %shift_right_arithmetic3A_259 : vector<16xi32>
        %bitcast_convert_type3A_263 = tpu.bitcast %sub3A_262 : vector<16xi32> -> vector<16xf32>
        %mul3A_264 = arith.constant 5.000000e-01 : f32
        %mul3A_265 = vector.broadcast %mul3A_264 : f32 to vector<16xf32>
        %mul3A_266 = arith.mulf %mul3A_265, %mul3A_255 : vector<16xf32>
        %mul3A_267 = arith.mulf %mul3A_266, %bitcast_convert_type3A_263 : vector<16xf32>
        %mul3A_268 = arith.mulf %mul3A_267, %bitcast_convert_type3A_263 : vector<16xf32>
        %sub3A_269 = arith.constant 1.500000e+00 : f32
        %sub3A_270 = vector.broadcast %sub3A_269 : f32 to vector<16xf32>
        %sub3A_271 = arith.subf %sub3A_270, %mul3A_268 : vector<16xf32>
        %mul3A_272 = arith.mulf %bitcast_convert_type3A_263, %sub3A_271 : vector<16xf32>
        %mul3A_273 = arith.mulf %mul3A_266, %mul3A_272 : vector<16xf32>
        %mul3A_274 = arith.mulf %mul3A_273, %mul3A_272 : vector<16xf32>
        %sub3A_275 = arith.constant 1.500000e+00 : f32
        %sub3A_276 = vector.broadcast %sub3A_275 : f32 to vector<16xf32>
        %sub3A_277 = arith.subf %sub3A_276, %mul3A_274 : vector<16xf32>
        %mul3A_278 = arith.mulf %mul3A_272, %sub3A_277 : vector<16xf32>
        %mul3A_279 = arith.mulf %add3A_254, %mul3A_278 : vector<16xf32>
        %neg3A = arith.constant 0.000000e+00 : f32
        %neg3A_280 = vector.broadcast %neg3A : f32 to vector<16xf32>
        %neg3A_281 = arith.subf %neg3A_280, %add3A_225 : vector<16xf32>
        %mul3A_282 = arith.mulf %add3A_215, %add3A_220 : vector<16xf32>
        %bitcast_convert_type3A_283 = tpu.bitcast %mul3A_282 : vector<16xf32> -> vector<16xi32>
        %shift_right_arithmetic3A_284 = arith.constant 1 : i32
        %shift_right_arithmetic3A_285 = vector.broadcast %shift_right_arithmetic3A_284 : i32 to vector<16xi32>
        %shift_right_arithmetic3A_286 = arith.shrsi %bitcast_convert_type3A_283, %shift_right_arithmetic3A_285 : vector<16xi32>
        %sub3A_287 = arith.constant 1597463007 : i32
        %sub3A_288 = vector.broadcast %sub3A_287 : i32 to vector<16xi32>
        %sub3A_289 = arith.subi %sub3A_288, %shift_right_arithmetic3A_286 : vector<16xi32>
        %bitcast_convert_type3A_290 = tpu.bitcast %sub3A_289 : vector<16xi32> -> vector<16xf32>
        %mul3A_291 = arith.constant 5.000000e-01 : f32
        %mul3A_292 = vector.broadcast %mul3A_291 : f32 to vector<16xf32>
        %mul3A_293 = arith.mulf %mul3A_292, %mul3A_282 : vector<16xf32>
        %mul3A_294 = arith.mulf %mul3A_293, %bitcast_convert_type3A_290 : vector<16xf32>
        %mul3A_295 = arith.mulf %mul3A_294, %bitcast_convert_type3A_290 : vector<16xf32>
        %sub3A_296 = arith.constant 1.500000e+00 : f32
        %sub3A_297 = vector.broadcast %sub3A_296 : f32 to vector<16xf32>
        %sub3A_298 = arith.subf %sub3A_297, %mul3A_295 : vector<16xf32>
        %mul3A_299 = arith.mulf %bitcast_convert_type3A_290, %sub3A_298 : vector<16xf32>
        %mul3A_300 = arith.mulf %mul3A_293, %mul3A_299 : vector<16xf32>
        %mul3A_301 = arith.mulf %mul3A_300, %mul3A_299 : vector<16xf32>
        %sub3A_302 = arith.constant 1.500000e+00 : f32
        %sub3A_303 = vector.broadcast %sub3A_302 : f32 to vector<16xf32>
        %sub3A_304 = arith.subf %sub3A_303, %mul3A_301 : vector<16xf32>
        %mul3A_305 = arith.mulf %mul3A_299, %sub3A_304 : vector<16xf32>
        %mul3A_306 = arith.mulf %neg3A_281, %mul3A_305 : vector<16xf32>
        %neg3A_307 = arith.constant 0.000000e+00 : f32
        %neg3A_308 = arith.constant 1.000000e+00 : f32
        %neg3A_309 = arith.subf %neg3A_307, %neg3A_308 : f32
        %max3A = vector.broadcast %neg3A_309 : f32 to vector<16xf32>
        %max3A_310 = arith.maximumf %mul3A_253, %max3A : vector<16xf32>
        %min3A = arith.constant 1.000000e+00 : f32
        %min3A_311 = vector.broadcast %min3A : f32 to vector<16xf32>
        %min3A_312 = arith.minimumf %max3A_310, %min3A_311 : vector<16xf32>
        %neg3A_313 = arith.constant 0.000000e+00 : f32
        %neg3A_314 = arith.constant 1.000000e+00 : f32
        %neg3A_315 = arith.subf %neg3A_313, %neg3A_314 : f32
        %max3A_316 = vector.broadcast %neg3A_315 : f32 to vector<16xf32>
        %max3A_317 = arith.maximumf %mul3A_279, %max3A_316 : vector<16xf32>
        %min3A_318 = arith.constant 1.000000e+00 : f32
        %min3A_319 = vector.broadcast %min3A_318 : f32 to vector<16xf32>
        %min3A_320 = arith.minimumf %max3A_317, %min3A_319 : vector<16xf32>
        %neg3A_321 = arith.constant 0.000000e+00 : f32
        %neg3A_322 = arith.constant 1.000000e+00 : f32
        %neg3A_323 = arith.subf %neg3A_321, %neg3A_322 : f32
        %max3A_324 = vector.broadcast %neg3A_323 : f32 to vector<16xf32>
        %max3A_325 = arith.maximumf %mul3A_306, %max3A_324 : vector<16xf32>
        %min3A_326 = arith.constant 1.000000e+00 : f32
        %min3A_327 = vector.broadcast %min3A_326 : f32 to vector<16xf32>
        %min3A_328 = arith.minimumf %max3A_325, %min3A_327 : vector<16xf32>
        %abs3A = math.absf %min3A_312 : vector<16xf32>
        %sub3A_329 = arith.constant 1.000000e+00 : f32
        %sub3A_330 = vector.broadcast %sub3A_329 : f32 to vector<16xf32>
        %sub3A_331 = arith.subf %sub3A_330, %abs3A : vector<16xf32>
        %max3A_332 = arith.constant 1.000000e-30 : f32
        %max3A_333 = vector.broadcast %max3A_332 : f32 to vector<16xf32>
        %max3A_334 = arith.maximumf %sub3A_331, %max3A_333 : vector<16xf32>
        %bitcast_convert_type3A_335 = tpu.bitcast %max3A_334 : vector<16xf32> -> vector<16xi32>
        %shift_right_arithmetic3A_336 = arith.constant 1 : i32
        %shift_right_arithmetic3A_337 = vector.broadcast %shift_right_arithmetic3A_336 : i32 to vector<16xi32>
        %shift_right_arithmetic3A_338 = arith.shrsi %bitcast_convert_type3A_335, %shift_right_arithmetic3A_337 : vector<16xi32>
        %sub3A_339 = arith.constant 1597463007 : i32
        %sub3A_340 = vector.broadcast %sub3A_339 : i32 to vector<16xi32>
        %sub3A_341 = arith.subi %sub3A_340, %shift_right_arithmetic3A_338 : vector<16xi32>
        %bitcast_convert_type3A_342 = tpu.bitcast %sub3A_341 : vector<16xi32> -> vector<16xf32>
        %mul3A_343 = arith.constant 5.000000e-01 : f32
        %mul3A_344 = vector.broadcast %mul3A_343 : f32 to vector<16xf32>
        %mul3A_345 = arith.mulf %mul3A_344, %max3A_334 : vector<16xf32>
        %mul3A_346 = arith.mulf %mul3A_345, %bitcast_convert_type3A_342 : vector<16xf32>
        %mul3A_347 = arith.mulf %mul3A_346, %bitcast_convert_type3A_342 : vector<16xf32>
        %sub3A_348 = arith.constant 1.500000e+00 : f32
        %sub3A_349 = vector.broadcast %sub3A_348 : f32 to vector<16xf32>
        %sub3A_350 = arith.subf %sub3A_349, %mul3A_347 : vector<16xf32>
        %mul3A_351 = arith.mulf %bitcast_convert_type3A_342, %sub3A_350 : vector<16xf32>
        %mul3A_352 = arith.mulf %sub3A_331, %mul3A_351 : vector<16xf32>
        %mul3A_353 = arith.constant -1.872930e-02 : f32
        %mul3A_354 = vector.broadcast %mul3A_353 : f32 to vector<16xf32>
        %mul3A_355 = arith.mulf %mul3A_354, %abs3A : vector<16xf32>
        %add3A_356 = arith.constant 7.426100e-02 : f32
        %add3A_357 = vector.broadcast %add3A_356 : f32 to vector<16xf32>
        %add3A_358 = arith.addf %mul3A_355, %add3A_357 : vector<16xf32>
        %mul3A_359 = arith.mulf %add3A_358, %abs3A : vector<16xf32>
        %add3A_360 = arith.constant -0.212114394 : f32
        %add3A_361 = vector.broadcast %add3A_360 : f32 to vector<16xf32>
        %add3A_362 = arith.addf %mul3A_359, %add3A_361 : vector<16xf32>
        %mul3A_363 = arith.mulf %add3A_362, %abs3A : vector<16xf32>
        %add3A_364 = arith.constant 1.57072878 : f32
        %add3A_365 = vector.broadcast %add3A_364 : f32 to vector<16xf32>
        %add3A_366 = arith.addf %mul3A_363, %add3A_365 : vector<16xf32>
        %mul3A_367 = arith.mulf %mul3A_352, %add3A_366 : vector<16xf32>
        %lt3A = arith.constant 0.000000e+00 : f32
        %lt3A_368 = vector.broadcast %lt3A : f32 to vector<16xf32>
        %lt3A_369 = arith.cmpf olt, %min3A_312, %lt3A_368 : vector<16xf32>
        %sub3A_370 = arith.constant 3.14159274 : f32
        %sub3A_371 = vector.broadcast %sub3A_370 : f32 to vector<16xf32>
        %sub3A_372 = arith.subf %sub3A_371, %mul3A_367 : vector<16xf32>
        %select_n3A = arith.select %lt3A_369, %sub3A_372, %mul3A_367 : vector<16xi1>, vector<16xf32>
        %swap3A = arith.index_cast %add3A_149 : i32 to index
        %swap3A_373 = arith.constant 0 : index
        %swap3A_374 = tpu.vector_load %arg17[%swap3A, %swap3A_373] {strides = array<i32>} : memref<128x48xf32, #tpu.memory_space<vmem>>, vector<1x16xf32>,
        %swap3A_375 = vector.shape_cast %swap3A_374 : vector<1x16xf32> to vector<16xf32>
        %swap3A_376 = vector.shape_cast %select_n3A : vector<16xf32> to vector<1x16xf32>
        tpu.vector_store %arg17[%swap3A, %swap3A_373], %swap3A_376 {strides = array<i32>} : memref<128x48xf32, #tpu.memory_space<vmem>>, vector<1x16xf32>,
        %abs3A_377 = math.absf %min3A_320 : vector<16xf32>
        %sub3A_378 = arith.constant 1.000000e+00 : f32
        %sub3A_379 = vector.broadcast %sub3A_378 : f32 to vector<16xf32>
        %sub3A_380 = arith.subf %sub3A_379, %abs3A_377 : vector<16xf32>
        %max3A_381 = arith.constant 1.000000e-30 : f32
        %max3A_382 = vector.broadcast %max3A_381 : f32 to vector<16xf32>
        %max3A_383 = arith.maximumf %sub3A_380, %max3A_382 : vector<16xf32>
        %bitcast_convert_type3A_384 = tpu.bitcast %max3A_383 : vector<16xf32> -> vector<16xi32>
        %shift_right_arithmetic3A_385 = arith.constant 1 : i32
        %shift_right_arithmetic3A_386 = vector.broadcast %shift_right_arithmetic3A_385 : i32 to vector<16xi32>
        %shift_right_arithmetic3A_387 = arith.shrsi %bitcast_convert_type3A_384, %shift_right_arithmetic3A_386 : vector<16xi32>
        %sub3A_388 = arith.constant 1597463007 : i32
        %sub3A_389 = vector.broadcast %sub3A_388 : i32 to vector<16xi32>
        %sub3A_390 = arith.subi %sub3A_389, %shift_right_arithmetic3A_387 : vector<16xi32>
        %bitcast_convert_type3A_391 = tpu.bitcast %sub3A_390 : vector<16xi32> -> vector<16xf32>
        %mul3A_392 = arith.constant 5.000000e-01 : f32
        %mul3A_393 = vector.broadcast %mul3A_392 : f32 to vector<16xf32>
        %mul3A_394 = arith.mulf %mul3A_393, %max3A_383 : vector<16xf32>
        %mul3A_395 = arith.mulf %mul3A_394, %bitcast_convert_type3A_391 : vector<16xf32>
        %mul3A_396 = arith.mulf %mul3A_395, %bitcast_convert_type3A_391 : vector<16xf32>
        %sub3A_397 = arith.constant 1.500000e+00 : f32
        %sub3A_398 = vector.broadcast %sub3A_397 : f32 to vector<16xf32>
        %sub3A_399 = arith.subf %sub3A_398, %mul3A_396 : vector<16xf32>
        %mul3A_400 = arith.mulf %bitcast_convert_type3A_391, %sub3A_399 : vector<16xf32>
        %mul3A_401 = arith.mulf %sub3A_380, %mul3A_400 : vector<16xf32>
        %mul3A_402 = arith.constant -1.872930e-02 : f32
        %mul3A_403 = vector.broadcast %mul3A_402 : f32 to vector<16xf32>
        %mul3A_404 = arith.mulf %mul3A_403, %abs3A_377 : vector<16xf32>
        %add3A_405 = arith.constant 7.426100e-02 : f32
        %add3A_406 = vector.broadcast %add3A_405 : f32 to vector<16xf32>
        %add3A_407 = arith.addf %mul3A_404, %add3A_406 : vector<16xf32>
        %mul3A_408 = arith.mulf %add3A_407, %abs3A_377 : vector<16xf32>
        %add3A_409 = arith.constant -0.212114394 : f32
        %add3A_410 = vector.broadcast %add3A_409 : f32 to vector<16xf32>
        %add3A_411 = arith.addf %mul3A_408, %add3A_410 : vector<16xf32>
        %mul3A_412 = arith.mulf %add3A_411, %abs3A_377 : vector<16xf32>
        %add3A_413 = arith.constant 1.57072878 : f32
        %add3A_414 = vector.broadcast %add3A_413 : f32 to vector<16xf32>
        %add3A_415 = arith.addf %mul3A_412, %add3A_414 : vector<16xf32>
        %mul3A_416 = arith.mulf %mul3A_401, %add3A_415 : vector<16xf32>
        %lt3A_417 = arith.constant 0.000000e+00 : f32
        %lt3A_418 = vector.broadcast %lt3A_417 : f32 to vector<16xf32>
        %lt3A_419 = arith.cmpf olt, %min3A_320, %lt3A_418 : vector<16xf32>
        %sub3A_420 = arith.constant 3.14159274 : f32
        %sub3A_421 = vector.broadcast %sub3A_420 : f32 to vector<16xf32>
        %sub3A_422 = arith.subf %sub3A_421, %mul3A_416 : vector<16xf32>
        %select_n3A_423 = arith.select %lt3A_419, %sub3A_422, %mul3A_416 : vector<16xi1>, vector<16xf32>
        %swap3A_424 = arith.index_cast %add3A_149 : i32 to index
        %swap3A_425 = arith.constant 16 : index
        %swap3A_426 = tpu.vector_load %arg17[%swap3A_424, %swap3A_425] {strides = array<i32>} : memref<128x48xf32, #tpu.memory_space<vmem>>, vector<1x16xf32>,
        %swap3A_427 = vector.shape_cast %swap3A_426 : vector<1x16xf32> to vector<16xf32>
        %swap3A_428 = vector.shape_cast %select_n3A_423 : vector<16xf32> to vector<1x16xf32>
        tpu.vector_store %arg17[%swap3A_424, %swap3A_425], %swap3A_428 {strides = array<i32>} : memref<128x48xf32, #tpu.memory_space<vmem>>, vector<1x16xf32>,
        %abs3A_429 = math.absf %min3A_328 : vector<16xf32>
        %sub3A_430 = arith.constant 1.000000e+00 : f32
        %sub3A_431 = vector.broadcast %sub3A_430 : f32 to vector<16xf32>
        %sub3A_432 = arith.subf %sub3A_431, %abs3A_429 : vector<16xf32>
        %max3A_433 = arith.constant 1.000000e-30 : f32
        %max3A_434 = vector.broadcast %max3A_433 : f32 to vector<16xf32>
        %max3A_435 = arith.maximumf %sub3A_432, %max3A_434 : vector<16xf32>
        %bitcast_convert_type3A_436 = tpu.bitcast %max3A_435 : vector<16xf32> -> vector<16xi32>
        %shift_right_arithmetic3A_437 = arith.constant 1 : i32
        %shift_right_arithmetic3A_438 = vector.broadcast %shift_right_arithmetic3A_437 : i32 to vector<16xi32>
        %shift_right_arithmetic3A_439 = arith.shrsi %bitcast_convert_type3A_436, %shift_right_arithmetic3A_438 : vector<16xi32>
        %sub3A_440 = arith.constant 1597463007 : i32
        %sub3A_441 = vector.broadcast %sub3A_440 : i32 to vector<16xi32>
        %sub3A_442 = arith.subi %sub3A_441, %shift_right_arithmetic3A_439 : vector<16xi32>
        %bitcast_convert_type3A_443 = tpu.bitcast %sub3A_442 : vector<16xi32> -> vector<16xf32>
        %mul3A_444 = arith.constant 5.000000e-01 : f32
        %mul3A_445 = vector.broadcast %mul3A_444 : f32 to vector<16xf32>
        %mul3A_446 = arith.mulf %mul3A_445, %max3A_435 : vector<16xf32>
        %mul3A_447 = arith.mulf %mul3A_446, %bitcast_convert_type3A_443 : vector<16xf32>
        %mul3A_448 = arith.mulf %mul3A_447, %bitcast_convert_type3A_443 : vector<16xf32>
        %sub3A_449 = arith.constant 1.500000e+00 : f32
        %sub3A_450 = vector.broadcast %sub3A_449 : f32 to vector<16xf32>
        %sub3A_451 = arith.subf %sub3A_450, %mul3A_448 : vector<16xf32>
        %mul3A_452 = arith.mulf %bitcast_convert_type3A_443, %sub3A_451 : vector<16xf32>
        %mul3A_453 = arith.mulf %sub3A_432, %mul3A_452 : vector<16xf32>
        %mul3A_454 = arith.constant -1.872930e-02 : f32
        %mul3A_455 = vector.broadcast %mul3A_454 : f32 to vector<16xf32>
        %mul3A_456 = arith.mulf %mul3A_455, %abs3A_429 : vector<16xf32>
        %add3A_457 = arith.constant 7.426100e-02 : f32
        %add3A_458 = vector.broadcast %add3A_457 : f32 to vector<16xf32>
        %add3A_459 = arith.addf %mul3A_456, %add3A_458 : vector<16xf32>
        %mul3A_460 = arith.mulf %add3A_459, %abs3A_429 : vector<16xf32>
        %add3A_461 = arith.constant -0.212114394 : f32
        %add3A_462 = vector.broadcast %add3A_461 : f32 to vector<16xf32>
        %add3A_463 = arith.addf %mul3A_460, %add3A_462 : vector<16xf32>
        %mul3A_464 = arith.mulf %add3A_463, %abs3A_429 : vector<16xf32>
        %add3A_465 = arith.constant 1.57072878 : f32
        %add3A_466 = vector.broadcast %add3A_465 : f32 to vector<16xf32>
        %add3A_467 = arith.addf %mul3A_464, %add3A_466 : vector<16xf32>
        %mul3A_468 = arith.mulf %mul3A_453, %add3A_467 : vector<16xf32>
        %lt3A_469 = arith.constant 0.000000e+00 : f32
        %lt3A_470 = vector.broadcast %lt3A_469 : f32 to vector<16xf32>
        %lt3A_471 = arith.cmpf olt, %min3A_328, %lt3A_470 : vector<16xf32>
        %sub3A_472 = arith.constant 3.14159274 : f32
        %sub3A_473 = vector.broadcast %sub3A_472 : f32 to vector<16xf32>
        %sub3A_474 = arith.subf %sub3A_473, %mul3A_468 : vector<16xf32>
        %select_n3A_475 = arith.select %lt3A_471, %sub3A_474, %mul3A_468 : vector<16xi1>, vector<16xf32>
        %swap3A_476 = arith.index_cast %add3A_149 : i32 to index
        %swap3A_477 = arith.constant 32 : index
        %swap3A_478 = tpu.vector_load %arg17[%swap3A_476, %swap3A_477] {strides = array<i32>} : memref<128x48xf32, #tpu.memory_space<vmem>>, vector<1x16xf32>,
        %swap3A_479 = vector.shape_cast %swap3A_478 : vector<1x16xf32> to vector<16xf32>
        %swap3A_480 = vector.shape_cast %select_n3A_475 : vector<16xf32> to vector<1x16xf32>
        tpu.vector_store %arg17[%swap3A_476, %swap3A_477], %swap3A_480 {strides = array<i32>} : memref<128x48xf32, #tpu.memory_space<vmem>>, vector<1x16xf32>,
      }
      %scan3A_137 = arith.constant 128 : i32
      %mul3A_138 = arith.constant 128 : i32
      %mul3A_139 = arith.muli %add3A_53, %mul3A_138 : i32
      %add3A_140 = arith.addi %mul3A_2, %mul3A_139 : i32
      %dma_start3A_141 = arith.constant 0 : i32
      %dma_start3A_142 = tpu.memref_slice %arg6[%add3A_140, %dma_start3A_141] : memref<204800x48xf32, #tpu.memory_space<hbm>> -> memref<128x48xf32, #tpu.memory_space<hbm>>
      %dma_start3A_143 = arith.constant 0 : i32
      %dma_start3A_144 = tpu.memref_slice %arg6[%add3A_140, %dma_start3A_143] : memref<204800x48xf32, #tpu.memory_space<hbm>> -> memref<128x48xf32, #tpu.memory_space<hbm>>
      tpu.enqueue_dma source(%arg17 : memref<128x48xf32, #tpu.memory_space<vmem>>) target(%dma_start3A_144 : memref<128x48xf32, #tpu.memory_space<hbm>>) target_semaphore(%arg21 : memref<!tpu.dma_semaphore, #tpu.memory_space<semaphore_mem>>)
    }
    %scan3A_20 = arith.constant 25 : i32
    %dma_wait3A = arith.constant 0 : i32
    %dma_wait3A_21 = tpu.memref_slice %arg7[%dma_wait3A] : memref<6528xi32, #tpu.memory_space<vmem>> -> memref<128xi32, #tpu.memory_space<vmem>>
    %dma_wait3A_22 = arith.constant 0 : i32
    %dma_wait3A_23 = arith.constant 0 : i32
    %dma_wait3A_24 = tpu.memref_slice %arg2[%dma_wait3A_22, %dma_wait3A_23] : memref<100000x32xi32, #tpu.memory_space<hbm>> -> memref<100000x32xi32, #tpu.memory_space<hbm>>
    tpu.wait_indirect_dma semaphore(%arg18 : memref<!tpu.dma_semaphore, #tpu.memory_space<semaphore_mem>>) src(%dma_wait3A_24 : memref<100000x32xi32, #tpu.memory_space<hbm>>) dst(%arg10 : memref<128x32xi32, #tpu.memory_space<vmem>>)
    %dma_wait3A_25 = arith.constant 0 : i32
    %dma_wait3A_26 = tpu.memref_slice %arg8[%dma_wait3A_25] : memref<6528xi32, #tpu.memory_space<vmem>> -> memref<128xi32, #tpu.memory_space<vmem>>
    %dma_wait3A_27 = arith.constant 0 : i32
    %dma_wait3A_28 = arith.constant 0 : i32
    %dma_wait3A_29 = tpu.memref_slice %arg2[%dma_wait3A_27, %dma_wait3A_28] : memref<100000x32xi32, #tpu.memory_space<hbm>> -> memref<100000x32xi32, #tpu.memory_space<hbm>>
    tpu.wait_indirect_dma semaphore(%arg18 : memref<!tpu.dma_semaphore, #tpu.memory_space<semaphore_mem>>) src(%dma_wait3A_29 : memref<100000x32xi32, #tpu.memory_space<hbm>>) dst(%arg11 : memref<128x32xi32, #tpu.memory_space<vmem>>)
    %dma_wait3A_30 = arith.constant 0 : i32
    %dma_wait3A_31 = tpu.memref_slice %arg9[%dma_wait3A_30] : memref<6528xi32, #tpu.memory_space<vmem>> -> memref<128xi32, #tpu.memory_space<vmem>>
    %dma_wait3A_32 = arith.constant 0 : i32
    %dma_wait3A_33 = arith.constant 0 : i32
    %dma_wait3A_34 = tpu.memref_slice %arg2[%dma_wait3A_32, %dma_wait3A_33] : memref<100000x32xi32, #tpu.memory_space<hbm>> -> memref<100000x32xi32, #tpu.memory_space<hbm>>
    tpu.wait_indirect_dma semaphore(%arg18 : memref<!tpu.dma_semaphore, #tpu.memory_space<semaphore_mem>>) src(%dma_wait3A_34 : memref<100000x32xi32, #tpu.memory_space<hbm>>) dst(%arg12 : memref<128x32xi32, #tpu.memory_space<vmem>>)
    %dma_wait3A_35 = arith.constant 0 : i32
    %dma_wait3A_36 = tpu.memref_slice %arg6[%mul3A_2, %dma_wait3A_35] : memref<204800x48xf32, #tpu.memory_space<hbm>> -> memref<128x48xf32, #tpu.memory_space<hbm>>
    %dma_wait3A_37 = arith.constant 0 : i32
    %dma_wait3A_38 = tpu.memref_slice %arg6[%mul3A_2, %dma_wait3A_37] : memref<204800x48xf32, #tpu.memory_space<hbm>> -> memref<128x48xf32, #tpu.memory_space<hbm>>
    tpu.wait_dma2 semaphore(%arg20 : memref<!tpu.dma_semaphore, #tpu.memory_space<semaphore_mem>>) src(%arg16 : memref<128x48xf32, #tpu.memory_space<vmem>>) dst(%dma_wait3A_38 : memref<128x48xf32, #tpu.memory_space<hbm>>)
    %dma_wait3A_39 = arith.constant 0 : i32
    %dma_wait3A_40 = tpu.memref_slice %arg6[%mul3A_2, %dma_wait3A_39] : memref<204800x48xf32, #tpu.memory_space<hbm>> -> memref<128x48xf32, #tpu.memory_space<hbm>>
    %dma_wait3A_41 = arith.constant 0 : i32
    %dma_wait3A_42 = tpu.memref_slice %arg6[%mul3A_2, %dma_wait3A_41] : memref<204800x48xf32, #tpu.memory_space<hbm>> -> memref<128x48xf32, #tpu.memory_space<hbm>>
    tpu.wait_dma2 semaphore(%arg21 : memref<!tpu.dma_semaphore, #tpu.memory_space<semaphore_mem>>) src(%arg17 : memref<128x48xf32, #tpu.memory_space<vmem>>) dst(%dma_wait3A_42 : memref<128x48xf32, #tpu.memory_space<hbm>>)
    return
  }
}

</mosaic_0001>

<sc_bundles>
// kernel: kernel.3.cloned.1.call-start
scs
__scs_entry_jumppad:
0x0: {  	(pc) =	sbr.rel $0x88, $3  }
0x1: {  	(tag) =	ssettag $0x0;
	lr =	simm.s32 $0x1  }
0x2: {  	[smem:$0x3F9F] =	sst lr;
	_ =	strace $0xD0000000  }
0x3: {  	_ = 	snop  }
0x4: {  	_ = 	snop  }
0x5: {  	_ = 	snop  }
0x6: {  	_ = 	snop  }
0x7: {  	_ = 	snop  }
__scs_overlays_trampoline_lowered:
0x8: {  	[smem:$0x3FAE] =	sst s0  }
0x9: {  	[smem:$0x3FAF] =	sst s1  }
0xa: {  	[smem:$0x3FB0] =	sst s2  }
0xb: {  	[smem:$0x3FB1] =	sst s3  }
0xc: {  	[smem:$0x3FB2] =	sst s4  }
0xd: {  	[smem:$0x3FB3] =	sst s5  }
0xe: {  	[smem:$0x3FB4] =	sst s6  }
0xf: {  	[smem:$0x3FB5] =	sst s7  }
0x10: {  	[smem:$0x3FB6] =	sst s8  }
0x11: {  	[smem:$0x3FB7] =	sst s9;
	s0 =	simm.s32 @!p0 $0x0  }
0x12: {  	s1 =	sld [smem:$0x3F9D];
	s0 =	simm.s32 @p0 $0x1  }
0x13: {  	[smem:$0x3FB8] =	sst s0;
	s0 =	simm.s32 @!p1 $0x0  }
0x14: {  	s2 =	sld [smem:$0x3F9C];
	s0 =	simm.s32 @p1 $0x1  }
0x15: {  	[smem:$0x3FB9] =	sst s0;
	s0 =	simm.s32 @!p2 $0x0  }
0x16: {  	s3 =	sld [smem:$0x3FDB];
	s0 =	simm.s32 @p2 $0x1  }
0x17: {  	s4 =	simm.s32 $0x1BF5;
	[smem:$0x3FBB] =	sst s0  }
0x18: {  	s0 =	sld [smem:$0x3F9E];
	_ =	swait.ge [sflag:s4], $0x0  }
0x19: {  	s7 =	sld [smem:$0x3F9F]  }
0x1a: {  	s8 =	sadd.s32 $0xFFFFE003, lr  }
0x1b: {  	s9 =	sadd.s32 $0xFFFFFEF7, lr;
	s5 =	simm.s32 $0xFFFFFFFF;
	p2 =	slt.u32 s8, $0xFFFFF086  }
0x1c: {  	p1 =	slt.u32 s9, $0xF7A;
	s5 =	simm.s32 @!p2 $0x0  }
0x1d: {  	s5 =	simm.s32 @p1 $0x1;
	p0 =	seq.s32 s7, s2  }
0x1e: {  	s7 =	smul.u32 @!p0 $0xF7A, s2;
	p2 =	seq.s32 @!p0 s5, $0x0  }
0x1f: {  	s9 =	smul.u32 $0xF7A, s1;
	s8 =	simm.s32 @!p0 $0x1BF5;
	p2 =	por !p2, p0  }
0x20: {  	[sflag:s8] =	ssyncset.s32 @!p0 $0xFFFFF086;
	s6 =	sadd.s32 @!p0 s3, s7;
	s7 =	simm.s32 @!p0 $0x108  }
0x21: {  	s3 =	sadd.s32 s3, s9;
	s6 =	sadd.s32 @!p0 $0x88, s6;
	s7 =	simm.s32 @p2 $0x1082  }
0x22: {  	[simem:s7], [sflag:s8] =	dma.local @!p0 [hbm:s6], $0xF7A  }
0x23: {  	s9 =	sor.u32 $0xD0000000, s2;
	s6 =	simm.s32 $0x108;
	_ =	swait.ge @!p0 [sflag:s8], $0x0  }
0x24: {  	s3 =	sadd.s32 $0x88, s3;
	s6 =	simm.s32 @!p1 $0x1082;
	[sflag:s4] =	ssyncset.s32 $0xFFFFF086  }
0x25: {  	[simem:s6], [sflag:s4] =	dma.local [hbm:s3], $0xF7A  }
0x26: {  	[smem:$0x3F9F] =	sst s1;
	(tag) =	ssettag s2;
	_ =	strace s9  }
0x27: {  	s1 =	sld [smem:$0x3FAF]  }
0x28: {  	s2 =	sld [smem:$0x3FB0]  }
0x29: {  	s4 =	sld [smem:$0x3FB2]  }
0x2a: {  	p0 =	seq.s32 s5, $0x0;
	s5 =	sld [smem:$0x3FB3]  }
0x2b: {  	s6 =	sld [smem:$0x3FB4]  }
0x2c: {  	s7 =	sld [smem:$0x3FB5]  }
0x2d: {  	s3 =	simm.s32 $0x108;
	s8 =	sld [smem:$0x3FB6]  }
0x2e: {  	s3 =	simm.s32 @!p0 $0x1082;
	s9 =	sld [smem:$0x3FB7]  }
0x2f: {  	lr =	sadd.s32 s0, s3;
	s0 =	sld [smem:$0x3FAE]  }
0x30: {  	s3 =	sld [smem:$0x3FB1]  }
0x31: {  	[smem:$0x3FBA] =	sst s10  }
0x32: {  	s10 =	sld [smem:$0x3FB8];
	_ =	sdelay $0x3  }
0x33: {  	p0 =	seq.s32 s10, $0x1;
	s10 =	sld [smem:$0x3FBA];
	_ =	sdelay $0x3  }
0x34: {  	[smem:$0x3FBA] =	sst s10  }
0x35: {  	s10 =	sld [smem:$0x3FB9];
	_ =	sdelay $0x3  }
0x36: {  	p1 =	seq.s32 s10, $0x1;
	s10 =	sld [smem:$0x3FBA];
	_ =	sdelay $0x3  }
0x37: {  	[smem:$0x3FBA] =	sst s10  }
0x38: {  	s10 =	sld [smem:$0x3FBB]  }
0x39: {  	_ = 	snop;
	(pc) =	sbr.ind lr, $3  }
0x3a: {  	_ = 	snop  }
0x3b: {  	_ = 	snop  }
0x3c: {  	p2 =	seq.s32 s10, $0x1;
	s10 =	sld [smem:$0x3FBA]  }
0x3d: {  	_ =	shalt  }
0x3e: {  	_ =	shalt  }
0x3f: {  	_ =	shalt  }
0x40: {  	_ =	shalt  }
0x41: {  	_ =	shalt  }
0x42: {  	_ =	shalt  }
0x43: {  	_ =	shalt  }
0x44: {  	_ =	shalt  }
0x45: {  	_ =	shalt  }
0x46: {  	_ =	shalt  }
0x47: {  	_ =	shalt  }
0x48: {  	_ =	shalt  }
0x49: {  	_ =	shalt  }
0x4a: {  	_ =	shalt  }
0x4b: {  	_ =	shalt  }
0x4c: {  	_ =	shalt  }
0x4d: {  	_ =	shalt  }
0x4e: {  	_ =	shalt  }
0x4f: {  	_ =	shalt  }
0x50: {  	_ =	shalt  }
0x51: {  	_ =	shalt  }
0x52: {  	_ =	shalt  }
0x53: {  	_ =	shalt  }
0x54: {  	_ =	shalt  }
0x55: {  	_ =	shalt  }
0x56: {  	_ =	shalt  }
0x57: {  	_ =	shalt  }
0x58: {  	_ =	shalt  }
0x59: {  	_ =	shalt  }
0x5a: {  	_ =	shalt  }
0x5b: {  	_ =	shalt  }
0x5c: {  	_ =	shalt  }
0x5d: {  	_ =	shalt  }
0x5e: {  	_ =	shalt  }
0x5f: {  	_ =	shalt  }
0x60: {  	_ =	shalt  }
0x61: {  	_ =	shalt  }
0x62: {  	_ =	shalt  }
0x63: {  	_ =	shalt  }
0x64: {  	_ =	shalt  }
0x65: {  	_ =	shalt  }
0x66: {  	_ =	shalt  }
0x67: {  	_ =	shalt  }
0x68: {  	_ =	shalt  }
0x69: {  	_ =	shalt  }
0x6a: {  	_ =	shalt  }
0x6b: {  	_ =	shalt  }
0x6c: {  	_ =	shalt  }
0x6d: {  	_ =	shalt  }
0x6e: {  	_ =	shalt  }
0x6f: {  	_ =	shalt  }
0x70: {  	_ =	shalt  }
0x71: {  	_ =	shalt  }
0x72: {  	_ =	shalt  }
0x73: {  	_ =	shalt  }
0x74: {  	_ =	shalt  }
0x75: {  	_ =	shalt  }
0x76: {  	_ =	shalt  }
0x77: {  	_ =	shalt  }
0x78: {  	_ =	shalt  }
0x79: {  	_ =	shalt  }
0x7a: {  	_ =	shalt  }
0x7b: {  	_ =	shalt  }
0x7c: {  	_ =	shalt  }
0x7d: {  	_ =	shalt  }
0x7e: {  	_ =	shalt  }
0x7f: {  	_ =	shalt  }
0x80: {  	_ =	shalt  }
0x81: {  	_ =	shalt  }
0x82: {  	_ =	shalt  }
0x83: {  	_ =	shalt  }
0x84: {  	_ =	shalt  }
0x85: {  	_ =	shalt  }
0x86: {  	_ =	shalt  }
0x87: {  	_ =	shalt  }
.Lfunc_end0:
.L_simem_size_0:
called_computation.1_lowered:
.L_overlay_start_0:
0x88: {  	s2 =	sld [smem:$0x3FD9]  }
0x89: {  	s3 =	sld [smem:$0x3FFE];
	_ =	sdelay $0x1  }
0x8a: {  	s1 =	srdreg.scid  }
0x8b: {  	s0 =	sand.u32 $0x1, s1  }
0x8c: {  	s17 =	sshll.u32 s0, $0xA;
	s2 =	sadd.s32 s3, s2  }
0x8d: {  	s2 =	sadd.s32 s2, s17  }
0x8e: {  	[smem:$0x3FC6] =	sst s2  }
0x8f: {  	_ = 	snop  }
0x90: {  	s2 =	sld [smem:$0x3FD0];
	(tm) =	ssettm $0x1  }
0x91: {  	s18 =	sld [smem:$0x3FFB];
	_ =	sdelay $0x3  }
0x92: {  	_ =	strace s18  }
0x93: {  	s3 =	sld [smem:$0x3FFC];
	_ =	sdelay $0x3  }
0x94: {  	_ =	strace s3  }
0x95: {  	s3 =	sld [smem:$0x3FFD];
	_ =	sdelay $0x3  }
0x96: {  	_ =	strace s3  }
0x97: {  	_ =	strace $0x8FFFFFFF  }
0x98: {  	s19 =	sld [smem:$0x3FDB];
	_ =	sdelay $0x1  }
0x99: {  	s4 =	simm.s32 $_scs_section_size  }
0x9a: {  	s5 =	simm.s32 $_size__tile_overlayer_lowered;
	s6 =	simm.s32 $_tile_overlayer_lowered  }
0x9b: {  	s22 =	simm.s32 $0x1BFF;
	s21 =	sshll.u32 s6, $0x1;
	s3 =	sadd.s32 s4, s19  }
0x9c: {  	s7 =	simm.s32 $0x0;
	s20 =	sshll.u32 s5, $0x1;
	s5 =	sadd.s32 s21, s3  }
0x9d: {  	[timem:s7], [sflag:s22] =	dma.local [hbm:s5], s20  }
0x9e: {  	_ =	swait.ge [sflag:s22], s20  }
0x9f: {  	s4 =	ssub.s32 $0x0, s20;
	[sflag:s22] =	ssyncset.done $0x0  }
0xa0: {  	[sflag:s22] =	ssyncadd.s32 s4;
	_ =	sdelay $0x1  }
0xa1: {  	s23 =	simm.s32 $0x1B8B  }
0xa2: {  	_ =	swait.ge [sflag:s23], $0x1  }
0xa3: {  	[sflag:s23] =	ssyncset.done $0x0  }
0xa4: {  	s25 =	simm.s32 $0x1B8E;
	s24 =	sld [smem:$0x3FFE];
	[sflag:s23] =	ssyncadd.s32 $0xFFFFFFFF  }
0xa5: {  	s26 =	simm.s32 $execute0_lowered;
	[smem:$0x3FD2] =	sst s25  }
0xa6: {  	s5 =	sshll.u32 s26, $0x1;
	_ =	strace $0x80000046;
	[dreg:$0x1] =	wrdreg $0xFFFFFFFF  }
0xa7: {  	s28 =	simm.s32 $_size_execute0_lowered;
	s3 =	sadd.s32 s3, s5;
	[dreg:$0x0] =	wrdreg $0x0  }
0xa8: {  	s5 =	sshll.u32 s28, $0x1;
	[dreg:$0x2] =	wrdreg s3  }
0xa9: {  	[dreg:$0x3] =	wrdreg s5  }
0xaa: {  	[dreg:$0x4] =	wrdreg $0xC0  }
0xab: {  	_ =	task [dreg:s7], $0x5FFFF  }
0xac: {  	[dreg:$0x1] =	wrdreg $0xFFFFFFFF  }
0xad: {  	[dreg:$0x0] =	wrdreg $0x60  }
0xae: {  	[dreg:$0x2] =	wrdreg s2  }
0xaf: {  	[dreg:$0x3] =	wrdreg s24  }
0xb0: {  	[dreg:$0x4] =	wrdreg $0x9  }
0xb1: {  	_ =	task.clear_ibuf [dreg:s7], $0x5FFFF;
	_ =	strace $0x90000046  }
0xb2: {  	s29 =	simm.s32 $0x9;
	_ =	strace $0x80000048  }
0xb3: {  	_ =	swait.ge [sflag:s29], $0x1  }
0xb4: {  	[sflag:s29] =	ssyncadd.s32 $0xFFFFFFFF  }
0xb5: {  	_ =	strace $0x90000048  }
0xb6: {  	_ =	sfence  }
0xb7: {  	s30 =	sld [smem:$0x0];
	_ =	sdelay $0x2  }
0xb8: {  	s31 =	sshll.u32 s1, $0xD;
	s1 =	sshrl.u32 s1, $0x2  }
0xb9: {  	s3 =	sand.u32 $0x4000, s31;
	s1 =	sadd.s32 s1, s30  }
0xba: {  	s0 =	sor.u32 s3, s0;
	s1 =	sshll.u32 s1, $0x11  }
0xbb: {  	s0 =	sor.u32 s1, s0  }
0xbc: {  	s0 =	sadd.s32 $0x8F2B, s0  }
0xbd: {  	[sflag:s0] =	ssyncadd.remote.s32 $0x1  }
0xbe: {  	_ =	sfence.sel $0xFFFF  }
0xbf: {  	[dreg:$0x0] =	wrdreg $0xFFFFFFFF;
	(pc) =	sbr.abs _section_cstart, $3  }
0xc0: {  	[dreg:$0x1] =	wrdreg $0xFFFFFFFF  }
0xc1: {  	_ =	task.clear_ibuf [dreg:s7], $0x2FFFF;
	_ =	strace $0x9FFFFFFF  }
0xc2: {  	(tm) =	ssettm $0x7FFFFFFF  }
0xc3: {  	_ =	shalt  }
tec
execute0_lowered:
.L_overlay_start_1:
0x0: {  	(tag) =	ssettag $0x1  }
0x1: {  	s0 =	srdreg.scid  }
0x2: {  	s1 =	stileid.u32;
	s2 =	rddreg [dreg:$0x0]  }
0x3: {  	s6 =	rddreg [dreg:$0x1];
	s3 =	simm.s32 $0x0;
	s10 =	simm.s32 $0x5  }
0x4: {  	s12 =	simm.s32 $0x3300;
	s13 =	simm.s32 $0x80;
	s14 =	simm.s32 $0x4C80  }
0x5: {  	s15 =	simm.s32 $0x5C80;
	s16 =	simm.s32 $0x6C80;
	s17 =	simm.s32 $0x1  }
0x6: {  	s18 =	simm.s32 $0x7C80;
	s19 =	simm.s32 $0x8C80;
	s20 =	simm.s32 $0x9C80  }
0x7: {  	s21 =	simm.s32 $0xAC80;
	s0 =	sand.u32 $0x1, s0;
	s1 =	sshll.u32 s1, $0x1  }
0x8: {  	s22 =	simm.s32 $0x2;
	s23 =	simm.s32 $0xC480;
	s1 =	sor.u32 s0, s1  }
0x9: {  	s24 =	simm.s32 $0x3;
	s25 =	simm.s32 $0x4;
	s4 =	smul.u32 $0x1900, s1  }
0xa: {  	s26 =	simm.s32 $0x0;
	[smem:$0x7FF] =	sst s3;
	s0 =	ssub.s32 $0x2, s0  }
0xb: {  	s5 =	sadd.s32 $0x13200, s6;
	s7 =	sshrl.u32 s0, $0x1;
	s1 =	sshrl.u32 s4, $0x3  }
0xc: {  	_ =	strace $0x80000047;
	s0 =	ssub.s32 s0, s7;
	s6 =	sadd.s32 s6, s1  }
0xd: {  	s9 =	smax.u32 s0, $0x1;
	s7 =	sadd.s32 $0xCC00, s6;
	s8 =	sadd.s32 $0x6600, s6  }
.LBB2_1:
0xe: {  	[tilespmem:s3], [sflag:$0x5] =	stream.linear.gather [hbm4b:s7+s3], $0x1980, $0x38;
	[tilespmem:$0xDC80] =	vst v63  }
0xf: {  	_ =	swait.ge [sflag:s10], $0x1980  }
0x10: {  	[sflag:s10] =	ssyncset.done $0x0  }
0x11: {  	s0 =	simm.s32 $0x1980;
	[sflag:s10] =	ssyncadd.s32 $0xFFFFE680  }
0x12: {  	[tilespmem:s0], [sflag:$0x5] =	stream.linear.gather [hbm4b:s8+s3], $0x1980, $0x38;
	[tilespmem:$0xDC80] =	vst v63  }
0x13: {  	_ =	swait.ge [sflag:s10], $0x1980  }
0x14: {  	[sflag:s10] =	ssyncset.done $0x0  }
0x15: {  	[sflag:s10] =	ssyncadd.s32 $0xFFFFE680  }
0x16: {  	[tilespmem:s12], [sflag:$0x5] =	stream.linear.gather [hbm4b:s6+s3], $0x1980, $0x38;
	[tilespmem:$0xDC80] =	vst v63  }
0x17: {  	_ =	swait.ge [sflag:s10], $0x1980  }
0x18: {  	[sflag:s10] =	ssyncset.done $0x0  }
0x19: {  	[sflag:s10] =	ssyncadd.s32 $0xFFFFE680  }
0x1a: {  	[tilespmem:s14], [sflag:$0x1] =	stream.indirect.gather [hbm4b:s2+s13], $0x20, s3, s13, $0xb8;
	[tilespmem:$0xDC80] =	vst v63  }
0x1b: {  	_ = 	snop  }
0x1c: {  	[tilespmem:s15], [sflag:$0x1] =	stream.indirect.gather [hbm4b:s2+s13], $0x20, s0, s13, $0xb8;
	[tilespmem:$0xDC80] =	vst v63  }
0x1d: {  	s28 =	simm.s32 $0x0  }
0x1e: {  	[tilespmem:s16], [sflag:$0x1] =	stream.indirect.gather [hbm4b:s2+s13], $0x20, s12, s13, $0xb8;
	[tilespmem:$0xDC80] =	vst v63  }
.LBB2_2:
0x1f: {  	_ =	swait.ge [sflag:s17], $0x1000  }
0x20: {  	[sflag:s17] =	ssyncset.done $0x0  }
0x21: {  	[sflag:s17] =	ssyncadd.s32 $0xFFFFF000  }
0x22: {  	_ =	swait.ge [sflag:s17], $0x1000  }
0x23: {  	[sflag:s17] =	ssyncset.done $0x0  }
0x24: {  	[sflag:s17] =	ssyncadd.s32 $0xFFFFF000  }
0x25: {  	_ =	swait.ge [sflag:s17], $0x1000  }
0x26: {  	s30 =	sshll.u32 s28, $0x8;
	[sflag:s17] =	ssyncset.done $0x0  }
0x27: {  	s29 =	sor.u32 $0x80, s30;
	[sflag:s17] =	ssyncadd.s32 $0xFFFFF000  }
0x28: {  	[tilespmem:s18], [sflag:$0x2] =	stream.indirect.gather [hbm4b:s2+s13], $0x20, s29, s13, $0xb8;
	[tilespmem:$0xDC80] =	vst v63  }
0x29: {  	p0 =	seq.s32 s28, $0x0;
	s0 =	sadd.s32 $0x1A00, s30  }
0x2a: {  	[tilespmem:s19], [sflag:$0x2] =	stream.indirect.gather [hbm4b:s2+s13], $0x20, s0, s13, $0xb8;
	[tilespmem:$0xDC80] =	vst v63  }
0x2b: {  	s1 =	sadd.s32 $0x3380, s30;
	s0 =	simm.s32 @!p0 $0x3  }
0x2c: {  	[tilespmem:s20], [sflag:$0x2] =	stream.indirect.gather [hbm4b:s2+s13], $0x20, s1, s13, $0xb8;
	[tilespmem:$0xDC80] =	vst v63  }
0x2d: {  	_ =	swait.ge @!p0 [sflag:s0], $0x1800  }
0x2e: {  	[sflag:s0] =	ssyncset.done @!p0 $0x0  }
0x2f: {  	s11 =	simm.s32 $0x0;
	[sflag:s0] =	ssyncadd.s32 @!p0 $0xFFFFE800  }
0x30: {  	v0 =	vld [tilespmem:s11+$0x6C80]  }
0x31: {  	v1 =	vld [tilespmem:s11+$0x4C80]  }
0x32: {  	v2 =	vld [tilespmem:s11+$0x5C80]  }
0x33: {  	v3 =	vld [tilespmem:s11+$0x6C90]  }
0x34: {  	v4 =	vld [tilespmem:s11+$0x4C90]  }
0x35: {  	v5 =	vld [tilespmem:s11+$0x5C90]  }
0x36: {  	v6 =	vand.u32 $0xFFFF0000, v0;
	v7 =	vshll.u32 v1, $0x10;
	v1 =	vand.u32 $0xFFFF0000, v1  }
0x37: {  	v0 =	vshll.u32 v0, $0x10;
	v8 =	vshll.u32 v2, $0x10;
	v2 =	vand.u32 $0xFFFF0000, v2  }
0x38: {  	v3 =	vshll.u32 v3, $0x10;
	v0 =	vsub.f32 v0, v7;
	v6 =	vsub.f32 v6, v1  }
0x39: {  	v1 =	vsub.f32 v1, v2;
	v2 =	vshll.u32 v4, $0x10;
	v4 =	vsub.f32 v7, v8  }
0x3a: {  	v5 =	vshll.u32 v5, $0x10;
	v7 =	vmul.f32 v0, v0;
	v8 =	vmul.f32 v6, v6  }
0x3b: {  	v3 =	vsub.f32 v3, v2;
	v9 =	vmul.f32 v1, v1;
	v10 =	vmul.f32 v4, v4  }
0x3c: {  	v2 =	vsub.f32 v2, v5;
	v1 =	vmul.f32 v6, v1;
	v0 =	vmul.f32 v0, v4  }
0x3d: {  	v5 =	vmul.f32 v3, v3;
	v4 =	vadd.f32 v8, v7;
	v6 =	vadd.f32 v9, v10  }
0x3e: {  	v0 =	vadd.f32 v1, v0;
	v1 =	vmul.f32 v2, v2;
	v2 =	vmul.f32 v3, v2  }
0x3f: {  	v3 =	vadd.f32 v5, v4  }
0x40: {  	v1 =	vadd.f32 v1, v6;
	v0 =	vadd.f32 v2, v0;
	_ =	sdelay $0x1  }
0x41: {  	v2 =	vadd.f32 v3, v1;
	v4 =	vadd.f32 v0, v0;
	_ =	sdelay $0x1  }
0x42: {  	v2 =	vadd.f32 v4, v2;
	v4 =	vmul.f32 v3, v1;
	_ =	sdelay $0x1  }
0x43: {  	v5 =	vmul.f32 v2, v1;
	v6 =	vshra.s32 v4, $0x1;
	v2 =	vmul.f32 v2, v3  }
0x44: {  	v4 =	vmul.f32 $5.000000000e-01, v4;
	v6 =	vsub.s32 $0x5F3759DF, v6  }
0x45: {  	v7 =	vshra.s32 v5, $0x1;
	v5 =	vmul.f32 $5.000000000e-01, v5;
	v8 =	vshra.s32 v2, $0x1  }
0x46: {  	v2 =	vmul.f32 $5.000000000e-01, v2;
	v9 =	vmul.f32 v6, v4;
	v7 =	vsub.s32 $0x5F3759DF, v7  }
0x47: {  	v8 =	vsub.s32 $0x5F3759DF, v8;
	v10 =	vmul.f32 v7, v5  }
0x48: {  	v11 =	vmul.f32 v8, v2;
	v9 =	vmul.f32 v6, v9  }
0x49: {  	v10 =	vmul.f32 v7, v10  }
0x4a: {  	v11 =	vmul.f32 v8, v11;
	v9 =	vsub.f32 $1.500000000e+00, v9  }
0x4b: {  	v10 =	vsub.f32 $1.500000000e+00, v10  }
0x4c: {  	v11 =	vsub.f32 $1.500000000e+00, v11;
	v6 =	vmul.f32 v6, v9  }
0x4d: {  	v7 =	vmul.f32 v7, v10  }
0x4e: {  	v8 =	vmul.f32 v8, v11;
	v4 =	vmul.f32 v6, v4  }
0x4f: {  	v5 =	vmul.f32 v7, v5  }
0x50: {  	v2 =	vmul.f32 v8, v2;
	v4 =	vmul.f32 v4, v6  }
0x51: {  	v5 =	vmul.f32 v5, v7  }
0x52: {  	v2 =	vmul.f32 v2, v8;
	v4 =	vsub.f32 $1.500000000e+00, v4  }
0x53: {  	v5 =	vsub.f32 $1.500000000e+00, v5  }
0x54: {  	v9 =	vsub.f32 $0.0e+00, v0;
	v2 =	vsub.f32 $1.500000000e+00, v2;
	v4 =	vmul.f32 v4, v6  }
0x55: {  	v1 =	vadd.f32 v0, v1;
	v5 =	vmul.f32 v5, v7  }
0x56: {  	v0 =	vadd.f32 v0, v3;
	v2 =	vmul.f32 v2, v8;
	v3 =	vmul.f32 v4, v9;
	_ =	sdelay $0x1  }
0x57: {  	v1 =	vmul.f32 v5, v1;
	v4 =	vmul.f32 v2, v0;
	v0 =	vmax.f32 v3, $-1.000000000e+00  }
0x58: {  	v0 =	vmin.f32 v0, $1.000000000e+00  }
0x59: {  	v1 =	vmax.f32 v1, $-1.000000000e+00;
	v7 =	vand.u32 $0x7FFFFFFF, v0  }
0x5a: {  	v2 =	vmin.f32 v1, $1.000000000e+00;
	v1 =	vmax.f32 v4, $-1.000000000e+00;
	v3 =	vsub.f32 $1.000000000e+00, v7  }
0x5b: {  	v5 =	vmul.f32 $1.872929930e-02, v7;
	v1 =	vmin.f32 v1, $1.000000000e+00;
	v6 =	vand.u32 $0x7FFFFFFF, v2  }
0x5c: {  	v9 =	vsub.f32 $1.000000000e+00, v6;
	v8 =	vand.u32 $0x7FFFFFFF, v1  }
0x5d: {  	v10 =	vmul.f32 $1.872929930e-02, v6;
	v12 =	vmax.f32 v3, $1.000000000e-30;
	v14 =	vsub.f32 $7.426100220e-02, v5  }
0x5e: {  	v4 =	vsub.f32 $1.000000000e+00, v8;
	v11 =	vmul.f32 $1.872929930e-02, v8;
	v15 =	vshra.s32 v12, $0x1  }
0x5f: {  	v12 =	vmul.f32 $5.000000000e-01, v12;
	v13 =	vmax.f32 v9, $1.000000000e-30;
	v10 =	vsub.f32 $7.426100220e-02, v10  }
0x60: {  	v14 =	vmul.f32 v14, v7;
	v5 =	vshra.s32 v13, $0x1;
	v13 =	vmul.f32 $5.000000000e-01, v13  }
0x61: {  	v11 =	vsub.f32 $7.426100220e-02, v11;
	v16 =	vsub.s32 $0x5F3759DF, v5;
	v5 =	vmax.f32 v4, $1.000000000e-30  }
0x62: {  	v13 =	vmul.f32 v16, v13;
	v17 =	vshra.s32 v5, $0x1;
	v18 =	vmul.f32 $5.000000000e-01, v5  }
0x63: {  	v10 =	vmul.f32 v10, v6;
	v11 =	vmul.f32 v11, v8;
	v17 =	vsub.s32 $0x5F3759DF, v17  }
0x64: {  	v13 =	vmul.f32 v16, v13;
	v61 =	vmul.f32 v17, v18  }
0x65: {  	v5 =	vsub.s32 $0x5F3759DF, v15;
	v10 =	vadd.f32 $-2.121143940e-01, v10;
	v11 =	vadd.f32 $-2.121143940e-01, v11  }
0x66: {  	v12 =	vmul.f32 v5, v12;
	v13 =	vsub.f32 $1.500000000e+00, v13;
	v15 =	vmul.f32 v17, v61  }
0x67: {  	v62 =	vadd.f32 $-2.121143940e-01, v14;
	v10 =	vmul.f32 v10, v6;
	v8 =	vmul.f32 v11, v8  }
0x68: {  	v11 =	vmul.f32 v5, v12;
	v13 =	vmul.f32 v16, v13;
	v63 =	vsub.f32 $1.500000000e+00, v15  }
0x69: {  	v7 =	vmul.f32 v62, v7;
	v10 =	vadd.f32 $1.570728780e+00, v10;
	v6 =	vadd.f32 $1.570728780e+00, v8  }
0x6a: {  	s31 =	simm.s32 $0xACA0;
	s1 =	simm.s32 $0xACA0;
	s0 =	simm.s32 $0x80;
	v8 =	vsub.f32 $1.500000000e+00, v11;
	v9 =	vmul.f32 v13, v9;
	v11 =	vmul.f32 v17, v63  }
.LBB2_3:
0x6b: {  	p1 =	sne.s32 s0, $0x3F80  }
0x6c: {  	v5 =	vmul.f32 v5, v8;
	s1 =	sadd.s32 $0x30, s1;
	s11 =	smov.u32 s0;
	s0 =	sadd.s32 $0x80, s0  }
0x6d: {  	v7 =	vadd.f32 $1.570728780e+00, v7;
	v8 =	vmul.f32 v9, v10;
	v4 =	vmul.f32 v11, v4  }
0x6e: {  	v3 =	vmul.f32 v5, v3  }
0x6f: {  	v5 =	vsub.f32 $3.141592740e+00, v8;
	v4 =	vmul.f32 v4, v6  }
0x70: {  	vm0 =	vlt.f32 v2, $0.0e+00;
	v2 =	vmul.f32 v3, v7  }
0x71: {  	v3 =	vsel vm0, v5, v8;
	v5 =	vsub.f32 $3.141592740e+00, v4  }
0x72: {  	vm1 =	vlt.f32 v0, $0.0e+00;
	vm0 =	vlt.f32 v1, $0.0e+00;
	[tilespmem:s31+$0xFFFFFFE0] =	vst v3;
	v0 =	vsub.f32 $3.141592740e+00, v2  }
0x73: {  	v1 =	vsel vm0, v5, v4  }
0x74: {  	[tilespmem:s31+$0xFFFFFFF0] =	vst v1;
	v0 =	vsel vm1, v0, v2  }
0x75: {  	s11 =	sshra.s32 s11, $0x2;
	[tilespmem:s31+$0x0] =	vst v0;
	s31 =	smov.u32 s1  }
0x76: {  	v0 =	vld [tilespmem:s11+$0x6C80]  }
0x77: {  	v1 =	vld [tilespmem:s11+$0x4C80]  }
0x78: {  	v2 =	vld [tilespmem:s11+$0x5C80]  }
0x79: {  	v3 =	vld [tilespmem:s11+$0x6C90]  }
0x7a: {  	v4 =	vld [tilespmem:s11+$0x4C90]  }
0x7b: {  	v5 =	vld [tilespmem:s11+$0x5C90];
	v6 =	vand.u32 $0xFFFF0000, v0  }
0x7c: {  	v0 =	vshll.u32 v0, $0x10;
	v7 =	vshll.u32 v1, $0x10;
	v1 =	vand.u32 $0xFFFF0000, v1  }
0x7d: {  	v8 =	vshll.u32 v2, $0x10;
	v2 =	vand.u32 $0xFFFF0000, v2;
	v0 =	vsub.f32 v0, v7  }
0x7e: {  	v6 =	vsub.f32 v6, v1;
	v3 =	vshll.u32 v3, $0x10;
	v1 =	vsub.f32 v1, v2  }
0x7f: {  	v2 =	vshll.u32 v4, $0x10;
	v4 =	vsub.f32 v7, v8;
	v7 =	vmul.f32 v0, v0  }
0x80: {  	v8 =	vmul.f32 v6, v6;
	v3 =	vsub.f32 v3, v2;
	v9 =	vmul.f32 v1, v1  }
0x81: {  	v5 =	vshll.u32 v5, $0x10;
	v1 =	vmul.f32 v6, v1;
	v10 =	vmul.f32 v4, v4  }
0x82: {  	v6 =	vadd.f32 v8, v7;
	v0 =	vmul.f32 v0, v4;
	v7 =	vmul.f32 v3, v3  }
0x83: {  	v2 =	vsub.f32 v2, v5;
	v4 =	vadd.f32 v9, v10  }
0x84: {  	v0 =	vadd.f32 v1, v0;
	v5 =	vadd.f32 v7, v6  }
0x85: {  	v1 =	vmul.f32 v2, v2;
	v2 =	vmul.f32 v3, v2;
	_ =	sdelay $0x1  }
0x86: {  	v1 =	vadd.f32 v1, v4;
	v0 =	vadd.f32 v2, v0;
	_ =	sdelay $0x1  }
0x87: {  	v2 =	vadd.f32 v5, v1;
	v3 =	vadd.f32 v0, v0;
	v4 =	vmul.f32 v5, v1  }
0x88: {  	v6 =	vadd.f32 v0, v1;
	v7 =	vadd.f32 v0, v5  }
0x89: {  	v2 =	vadd.f32 v3, v2;
	v3 =	vshra.s32 v4, $0x1;
	v4 =	vmul.f32 $5.000000000e-01, v4  }
0x8a: {  	v3 =	vsub.s32 $0x5F3759DF, v3  }
0x8b: {  	v1 =	vmul.f32 v2, v1;
	v2 =	vmul.f32 v2, v5  }
0x8c: {  	v5 =	vmul.f32 v3, v4  }
0x8d: {  	v8 =	vshra.s32 v1, $0x1;
	v1 =	vmul.f32 $5.000000000e-01, v1;
	v9 =	vshra.s32 v2, $0x1  }
0x8e: {  	v2 =	vmul.f32 $5.000000000e-01, v2;
	v8 =	vsub.s32 $0x5F3759DF, v8;
	v9 =	vsub.s32 $0x5F3759DF, v9  }
0x8f: {  	v5 =	vmul.f32 v3, v5;
	v10 =	vmul.f32 v8, v1  }
0x90: {  	v11 =	vmul.f32 v9, v2  }
0x91: {  	v5 =	vsub.f32 $1.500000000e+00, v5;
	v10 =	vmul.f32 v8, v10  }
0x92: {  	v11 =	vmul.f32 v9, v11  }
0x93: {  	v3 =	vmul.f32 v3, v5;
	v10 =	vsub.f32 $1.500000000e+00, v10  }
0x94: {  	v5 =	vsub.f32 $1.500000000e+00, v11  }
0x95: {  	v4 =	vmul.f32 v3, v4;
	v8 =	vmul.f32 v8, v10  }
0x96: {  	v5 =	vmul.f32 v9, v5  }
0x97: {  	v4 =	vmul.f32 v4, v3;
	v1 =	vmul.f32 v8, v1  }
0x98: {  	v2 =	vmul.f32 v5, v2  }
0x99: {  	v4 =	vsub.f32 $1.500000000e+00, v4;
	v1 =	vmul.f32 v1, v8  }
0x9a: {  	v2 =	vmul.f32 v2, v5  }
0x9b: {  	v0 =	vsub.f32 $0.0e+00, v0;
	v3 =	vmul.f32 v4, v3;
	v1 =	vsub.f32 $1.500000000e+00, v1  }
0x9c: {  	v2 =	vsub.f32 $1.500000000e+00, v2  }
0x9d: {  	v0 =	vmul.f32 v3, v0;
	v1 =	vmul.f32 v1, v8  }
0x9e: {  	v2 =	vmul.f32 v2, v5  }
0x9f: {  	v0 =	vmax.f32 v0, $-1.000000000e+00;
	v1 =	vmul.f32 v1, v6  }
0xa0: {  	v0 =	vmin.f32 v0, $1.000000000e+00;
	v3 =	vmul.f32 v2, v7  }
0xa1: {  	v7 =	vand.u32 $0x7FFFFFFF, v0;
	v1 =	vmax.f32 v1, $-1.000000000e+00  }
0xa2: {  	v2 =	vmin.f32 v1, $1.000000000e+00;
	v1 =	vmax.f32 v3, $-1.000000000e+00;
	v3 =	vsub.f32 $1.000000000e+00, v7  }
0xa3: {  	v5 =	vmul.f32 $1.872929930e-02, v7;
	v1 =	vmin.f32 v1, $1.000000000e+00;
	v6 =	vand.u32 $0x7FFFFFFF, v2  }
0xa4: {  	v9 =	vsub.f32 $1.000000000e+00, v6;
	v8 =	vmul.f32 $1.872929930e-02, v6;
	v10 =	vand.u32 $0x7FFFFFFF, v1  }
0xa5: {  	v12 =	vmax.f32 v3, $1.000000000e-30;
	v4 =	vsub.f32 $1.000000000e+00, v10;
	v11 =	vmul.f32 $1.872929930e-02, v10  }
0xa6: {  	v14 =	vsub.f32 $7.426100220e-02, v5;
	v13 =	vmax.f32 v9, $1.000000000e-30;
	v8 =	vsub.f32 $7.426100220e-02, v8  }
0xa7: {  	v15 =	vshra.s32 v12, $0x1;
	v5 =	vshra.s32 v13, $0x1;
	v13 =	vmul.f32 $5.000000000e-01, v13  }
0xa8: {  	v12 =	vmul.f32 $5.000000000e-01, v12;
	v17 =	vmax.f32 v4, $1.000000000e-30;
	v16 =	vsub.s32 $0x5F3759DF, v5  }
0xa9: {  	v11 =	vsub.f32 $7.426100220e-02, v11;
	v5 =	vsub.s32 $0x5F3759DF, v15;
	v13 =	vmul.f32 v16, v13  }
0xaa: {  	v8 =	vmul.f32 v8, v6;
	v15 =	vshra.s32 v17, $0x1;
	v17 =	vmul.f32 $5.000000000e-01, v17  }
0xab: {  	v15 =	vsub.s32 $0x5F3759DF, v15;
	v11 =	vmul.f32 v11, v10;
	v13 =	vmul.f32 v16, v13  }
0xac: {  	v12 =	vmul.f32 v5, v12;
	v8 =	vadd.f32 $-2.121143940e-01, v8;
	v17 =	vmul.f32 v15, v17  }
0xad: {  	v14 =	vmul.f32 v14, v7;
	v11 =	vadd.f32 $-2.121143940e-01, v11;
	v13 =	vsub.f32 $1.500000000e+00, v13  }
.Ltmp0:
0xae: {  	v18 =	vmul.f32 v8, v6;
	v6 =	vmul.f32 v15, v17;
	(pc) =	sbr.rel @p1 .LBB2_3-.Ltmp0, $4  }
0xaf: {  	v8 =	vmul.f32 v11, v10;
	v10 =	vmul.f32 v5, v12;
	v11 =	vadd.f32 $-2.121143940e-01, v14  }
0xb0: {  	v12 =	vmul.f32 v16, v13;
	v13 =	vsub.f32 $1.500000000e+00, v6  }
0xb1: {  	v6 =	vadd.f32 $1.570728780e+00, v8;
	v8 =	vsub.f32 $1.500000000e+00, v10;
	v7 =	vmul.f32 v11, v7  }
0xb2: {  	v10 =	vadd.f32 $1.570728780e+00, v18;
	v9 =	vmul.f32 v12, v9;
	v11 =	vmul.f32 v15, v13  }
0xb3: {  	v5 =	vmul.f32 v5, v8  }
0xb4: {  	v4 =	vmul.f32 v11, v4  }
0xb5: {  	v7 =	vadd.f32 $1.570728780e+00, v7;
	v8 =	vmul.f32 v9, v10;
	v3 =	vmul.f32 v5, v3  }
0xb6: {  	v4 =	vmul.f32 v4, v6  }
0xb7: {  	v5 =	vsub.f32 $3.141592740e+00, v8;
	v3 =	vmul.f32 v3, v7  }
0xb8: {  	vm0 =	vlt.f32 v2, $0.0e+00;
	v2 =	vsub.f32 $3.141592740e+00, v4  }
0xb9: {  	vm15 =	vlt.f32 v1, $0.0e+00;
	s0 =	sadd.s32 s4, s30;
	v5 =	vsel vm0, v5, v8;
	v1 =	vsub.f32 $3.141592740e+00, v3  }
0xba: {  	vm1 =	vlt.f32 v0, $0.0e+00;
	s0 =	smul.u32 $0x6, s0;
	[tilespmem:s31+$0xFFFFFFE0] =	vst v5;
	v0 =	vsel vm15, v2, v4  }
0xbb: {  	[tilespmem:s31+$0xFFFFFFF0] =	vst v0;
	v0 =	vsel vm1, v1, v3  }
0xbc: {  	s0 =	sadd.s32 s5, s0;
	[tilespmem:s31+$0x0] =	vst v0  }
0xbd: {  	[hbm4b:s0+s3] =	stream.linear.scatter [tilespmem:s21], [sflag:$0x3], $0x1800, $0x38;
	[tilespmem:$0xDC80] =	vst v63  }
0xbe: {  	_ =	swait.ge [sflag:s22], $0x1000  }
0xbf: {  	[sflag:s22] =	ssyncset.done $0x0  }
0xc0: {  	[sflag:s22] =	ssyncadd.s32 $0xFFFFF000  }
0xc1: {  	_ =	swait.ge [sflag:s22], $0x1000  }
0xc2: {  	[sflag:s22] =	ssyncset.done $0x0  }
0xc3: {  	[sflag:s22] =	ssyncadd.s32 $0xFFFFF000  }
0xc4: {  	_ =	swait.ge [sflag:s22], $0x1000  }
0xc5: {  	[sflag:s22] =	ssyncset.done $0x0  }
0xc6: {  	s31 =	sadd.s32 $0x100, s30;
	[sflag:s22] =	ssyncadd.s32 $0xFFFFF000  }
0xc7: {  	[tilespmem:s14], [sflag:$0x1] =	stream.indirect.gather [hbm4b:s2+s13], $0x20, s31, s13, $0xb8;
	[tilespmem:$0xDC80] =	vst v63  }
0xc8: {  	s1 =	sadd.s32 $0x1A80, s30  }
0xc9: {  	[tilespmem:s15], [sflag:$0x1] =	stream.indirect.gather [hbm4b:s2+s13], $0x20, s1, s13, $0xb8;
	[tilespmem:$0xDC80] =	vst v63  }
0xca: {  	s11 =	sadd.s32 $0x3400, s30;
	s0 =	simm.s32 @!p0 $0x4  }
0xcb: {  	[tilespmem:s16], [sflag:$0x1] =	stream.indirect.gather [hbm4b:s2+s13], $0x20, s11, s13, $0xb8;
	[tilespmem:$0xDC80] =	vst v63  }
0xcc: {  	_ =	swait.ge @!p0 [sflag:s0], $0x1800  }
0xcd: {  	[sflag:s0] =	ssyncset.done @!p0 $0x0  }
0xce: {  	s31 =	simm.s32 $0x0;
	[sflag:s0] =	ssyncadd.s32 @!p0 $0xFFFFE800  }
0xcf: {  	v0 =	vld [tilespmem:s31+$0x9C80]  }
0xd0: {  	v1 =	vld [tilespmem:s31+$0x7C80]  }
0xd1: {  	v2 =	vld [tilespmem:s31+$0x8C80]  }
0xd2: {  	v3 =	vld [tilespmem:s31+$0x9C90]  }
0xd3: {  	v4 =	vld [tilespmem:s31+$0x7C90]  }
0xd4: {  	v5 =	vld [tilespmem:s31+$0x8C90]  }
0xd5: {  	v6 =	vand.u32 $0xFFFF0000, v0;
	v7 =	vshll.u32 v1, $0x10;
	v1 =	vand.u32 $0xFFFF0000, v1  }
0xd6: {  	v0 =	vshll.u32 v0, $0x10;
	v8 =	vshll.u32 v2, $0x10;
	v2 =	vand.u32 $0xFFFF0000, v2  }
0xd7: {  	v3 =	vshll.u32 v3, $0x10;
	v0 =	vsub.f32 v0, v7;
	v6 =	vsub.f32 v6, v1  }
0xd8: {  	v1 =	vsub.f32 v1, v2;
	v2 =	vshll.u32 v4, $0x10;
	v4 =	vsub.f32 v7, v8  }
0xd9: {  	v5 =	vshll.u32 v5, $0x10;
	v7 =	vmul.f32 v0, v0;
	v8 =	vmul.f32 v6, v6  }
0xda: {  	v3 =	vsub.f32 v3, v2;
	v9 =	vmul.f32 v1, v1;
	v10 =	vmul.f32 v4, v4  }
0xdb: {  	v2 =	vsub.f32 v2, v5;
	v1 =	vmul.f32 v6, v1;
	v0 =	vmul.f32 v0, v4  }
0xdc: {  	v5 =	vmul.f32 v3, v3;
	v4 =	vadd.f32 v8, v7;
	v6 =	vadd.f32 v9, v10  }
0xdd: {  	v0 =	vadd.f32 v1, v0;
	v1 =	vmul.f32 v2, v2;
	v2 =	vmul.f32 v3, v2  }
0xde: {  	v3 =	vadd.f32 v5, v4  }
0xdf: {  	v1 =	vadd.f32 v1, v6;
	v0 =	vadd.f32 v2, v0;
	_ =	sdelay $0x1  }
0xe0: {  	v2 =	vadd.f32 v3, v1;
	v4 =	vadd.f32 v0, v0;
	_ =	sdelay $0x1  }
0xe1: {  	v2 =	vadd.f32 v4, v2;
	v4 =	vmul.f32 v3, v1;
	_ =	sdelay $0x1  }
0xe2: {  	v5 =	vmul.f32 v2, v1;
	v6 =	vshra.s32 v4, $0x1;
	v2 =	vmul.f32 v2, v3  }
0xe3: {  	v4 =	vmul.f32 $5.000000000e-01, v4;
	v6 =	vsub.s32 $0x5F3759DF, v6  }
0xe4: {  	v7 =	vshra.s32 v5, $0x1;
	v5 =	vmul.f32 $5.000000000e-01, v5;
	v8 =	vshra.s32 v2, $0x1  }
0xe5: {  	v2 =	vmul.f32 $5.000000000e-01, v2;
	v9 =	vmul.f32 v6, v4;
	v7 =	vsub.s32 $0x5F3759DF, v7  }
0xe6: {  	v8 =	vsub.s32 $0x5F3759DF, v8;
	v10 =	vmul.f32 v7, v5  }
0xe7: {  	v11 =	vmul.f32 v8, v2;
	v9 =	vmul.f32 v6, v9  }
0xe8: {  	v10 =	vmul.f32 v7, v10  }
0xe9: {  	v11 =	vmul.f32 v8, v11;
	v9 =	vsub.f32 $1.500000000e+00, v9  }
0xea: {  	v10 =	vsub.f32 $1.500000000e+00, v10  }
0xeb: {  	v11 =	vsub.f32 $1.500000000e+00, v11;
	v6 =	vmul.f32 v6, v9  }
0xec: {  	v7 =	vmul.f32 v7, v10  }
0xed: {  	v8 =	vmul.f32 v8, v11;
	v4 =	vmul.f32 v6, v4  }
0xee: {  	v5 =	vmul.f32 v7, v5  }
0xef: {  	v2 =	vmul.f32 v8, v2;
	v4 =	vmul.f32 v4, v6  }
0xf0: {  	v5 =	vmul.f32 v5, v7  }
0xf1: {  	v2 =	vmul.f32 v2, v8;
	v4 =	vsub.f32 $1.500000000e+00, v4  }
0xf2: {  	v5 =	vsub.f32 $1.500000000e+00, v5  }
0xf3: {  	v9 =	vsub.f32 $0.0e+00, v0;
	v2 =	vsub.f32 $1.500000000e+00, v2;
	v4 =	vmul.f32 v4, v6  }
0xf4: {  	v1 =	vadd.f32 v0, v1;
	v5 =	vmul.f32 v5, v7  }
0xf5: {  	v0 =	vadd.f32 v0, v3;
	v2 =	vmul.f32 v2, v8;
	v3 =	vmul.f32 v4, v9;
	_ =	sdelay $0x1  }
0xf6: {  	v1 =	vmul.f32 v5, v1;
	v4 =	vmul.f32 v2, v0;
	v0 =	vmax.f32 v3, $-1.000000000e+00  }
0xf7: {  	v0 =	vmin.f32 v0, $1.000000000e+00  }
0xf8: {  	v1 =	vmax.f32 v1, $-1.000000000e+00;
	v7 =	vand.u32 $0x7FFFFFFF, v0  }
0xf9: {  	v2 =	vmin.f32 v1, $1.000000000e+00;
	v1 =	vmax.f32 v4, $-1.000000000e+00;
	v3 =	vsub.f32 $1.000000000e+00, v7  }
0xfa: {  	v5 =	vmul.f32 $1.872929930e-02, v7;
	v1 =	vmin.f32 v1, $1.000000000e+00;
	v6 =	vand.u32 $0x7FFFFFFF, v2  }
0xfb: {  	v9 =	vsub.f32 $1.000000000e+00, v6;
	v8 =	vand.u32 $0x7FFFFFFF, v1  }
0xfc: {  	v10 =	vmul.f32 $1.872929930e-02, v6;
	v12 =	vmax.f32 v3, $1.000000000e-30;
	v14 =	vsub.f32 $7.426100220e-02, v5  }
0xfd: {  	v4 =	vsub.f32 $1.000000000e+00, v8;
	v11 =	vmul.f32 $1.872929930e-02, v8;
	v15 =	vshra.s32 v12, $0x1  }
0xfe: {  	v12 =	vmul.f32 $5.000000000e-01, v12;
	v13 =	vmax.f32 v9, $1.000000000e-30;
	v10 =	vsub.f32 $7.426100220e-02, v10  }
0xff: {  	v14 =	vmul.f32 v14, v7;
	v5 =	vshra.s32 v13, $0x1;
	v13 =	vmul.f32 $5.000000000e-01, v13  }
0x100: {  	v11 =	vsub.f32 $7.426100220e-02, v11;
	v16 =	vsub.s32 $0x5F3759DF, v5;
	v5 =	vmax.f32 v4, $1.000000000e-30  }
0x101: {  	v13 =	vmul.f32 v16, v13;
	v17 =	vshra.s32 v5, $0x1;
	v18 =	vmul.f32 $5.000000000e-01, v5  }
0x102: {  	v10 =	vmul.f32 v10, v6;
	v11 =	vmul.f32 v11, v8;
	v17 =	vsub.s32 $0x5F3759DF, v17  }
0x103: {  	v13 =	vmul.f32 v16, v13;
	v61 =	vmul.f32 v17, v18  }
0x104: {  	v5 =	vsub.s32 $0x5F3759DF, v15;
	v10 =	vadd.f32 $-2.121143940e-01, v10;
	v11 =	vadd.f32 $-2.121143940e-01, v11  }
0x105: {  	v12 =	vmul.f32 v5, v12;
	v13 =	vsub.f32 $1.500000000e+00, v13;
	v15 =	vmul.f32 v17, v61  }
0x106: {  	v62 =	vadd.f32 $-2.121143940e-01, v14;
	v10 =	vmul.f32 v10, v6;
	v8 =	vmul.f32 v11, v8  }
0x107: {  	v11 =	vmul.f32 v5, v12;
	v13 =	vmul.f32 v16, v13;
	v63 =	vsub.f32 $1.500000000e+00, v15  }
0x108: {  	v7 =	vmul.f32 v62, v7;
	v10 =	vadd.f32 $1.570728780e+00, v10;
	v6 =	vadd.f32 $1.570728780e+00, v8  }
0x109: {  	s30 =	simm.s32 $0xC4A0;
	s1 =	simm.s32 $0xC4A0;
	s0 =	simm.s32 $0x80;
	v8 =	vsub.f32 $1.500000000e+00, v11;
	v9 =	vmul.f32 v13, v9;
	v11 =	vmul.f32 v17, v63  }
.LBB2_5:
0x10a: {  	p0 =	sne.s32 s0, $0x3F80  }
0x10b: {  	v5 =	vmul.f32 v5, v8;
	s1 =	sadd.s32 $0x30, s1;
	s11 =	smov.u32 s0;
	s0 =	sadd.s32 $0x80, s0  }
0x10c: {  	v7 =	vadd.f32 $1.570728780e+00, v7;
	v8 =	vmul.f32 v9, v10;
	v4 =	vmul.f32 v11, v4  }
0x10d: {  	v3 =	vmul.f32 v5, v3  }
0x10e: {  	v5 =	vsub.f32 $3.141592740e+00, v8;
	v4 =	vmul.f32 v4, v6  }
0x10f: {  	vm0 =	vlt.f32 v2, $0.0e+00;
	v2 =	vmul.f32 v3, v7  }
0x110: {  	v3 =	vsel vm0, v5, v8;
	v5 =	vsub.f32 $3.141592740e+00, v4  }
0x111: {  	vm1 =	vlt.f32 v0, $0.0e+00;
	vm0 =	vlt.f32 v1, $0.0e+00;
	[tilespmem:s30+$0xFFFFFFE0] =	vst v3;
	v0 =	vsub.f32 $3.141592740e+00, v2  }
0x112: {  	v1 =	vsel vm0, v5, v4  }
0x113: {  	[tilespmem:s30+$0xFFFFFFF0] =	vst v1;
	v0 =	vsel vm1, v0, v2  }
0x114: {  	s11 =	sshra.s32 s11, $0x2;
	[tilespmem:s30+$0x0] =	vst v0;
	s30 =	smov.u32 s1  }
0x115: {  	v0 =	vld [tilespmem:s11+$0x9C80]  }
0x116: {  	v1 =	vld [tilespmem:s11+$0x7C80]  }
0x117: {  	v2 =	vld [tilespmem:s11+$0x8C80]  }
0x118: {  	v3 =	vld [tilespmem:s11+$0x9C90]  }
0x119: {  	v4 =	vld [tilespmem:s11+$0x7C90]  }
0x11a: {  	v5 =	vld [tilespmem:s11+$0x8C90];
	v6 =	vand.u32 $0xFFFF0000, v0  }
0x11b: {  	v0 =	vshll.u32 v0, $0x10;
	v7 =	vshll.u32 v1, $0x10;
	v1 =	vand.u32 $0xFFFF0000, v1  }
0x11c: {  	v8 =	vshll.u32 v2, $0x10;
	v2 =	vand.u32 $0xFFFF0000, v2;
	v0 =	vsub.f32 v0, v7  }
0x11d: {  	v6 =	vsub.f32 v6, v1;
	v3 =	vshll.u32 v3, $0x10;
	v1 =	vsub.f32 v1, v2  }
0x11e: {  	v2 =	vshll.u32 v4, $0x10;
	v4 =	vsub.f32 v7, v8;
	v7 =	vmul.f32 v0, v0  }
0x11f: {  	v8 =	vmul.f32 v6, v6;
	v3 =	vsub.f32 v3, v2;
	v9 =	vmul.f32 v1, v1  }
0x120: {  	v5 =	vshll.u32 v5, $0x10;
	v1 =	vmul.f32 v6, v1;
	v10 =	vmul.f32 v4, v4  }
0x121: {  	v6 =	vadd.f32 v8, v7;
	v0 =	vmul.f32 v0, v4;
	v7 =	vmul.f32 v3, v3  }
0x122: {  	v2 =	vsub.f32 v2, v5;
	v4 =	vadd.f32 v9, v10  }
0x123: {  	v0 =	vadd.f32 v1, v0;
	v5 =	vadd.f32 v7, v6  }
0x124: {  	v1 =	vmul.f32 v2, v2;
	v2 =	vmul.f32 v3, v2;
	_ =	sdelay $0x1  }
0x125: {  	v1 =	vadd.f32 v1, v4;
	v0 =	vadd.f32 v2, v0;
	_ =	sdelay $0x1  }
0x126: {  	v2 =	vadd.f32 v5, v1;
	v3 =	vadd.f32 v0, v0;
	v4 =	vmul.f32 v5, v1  }
0x127: {  	v6 =	vadd.f32 v0, v1;
	v7 =	vadd.f32 v0, v5  }
0x128: {  	v2 =	vadd.f32 v3, v2;
	v3 =	vshra.s32 v4, $0x1;
	v4 =	vmul.f32 $5.000000000e-01, v4  }
0x129: {  	v3 =	vsub.s32 $0x5F3759DF, v3  }
0x12a: {  	v1 =	vmul.f32 v2, v1;
	v2 =	vmul.f32 v2, v5  }
0x12b: {  	v5 =	vmul.f32 v3, v4  }
0x12c: {  	v8 =	vshra.s32 v1, $0x1;
	v1 =	vmul.f32 $5.000000000e-01, v1;
	v9 =	vshra.s32 v2, $0x1  }
0x12d: {  	v2 =	vmul.f32 $5.000000000e-01, v2;
	v8 =	vsub.s32 $0x5F3759DF, v8;
	v9 =	vsub.s32 $0x5F3759DF, v9  }
0x12e: {  	v5 =	vmul.f32 v3, v5;
	v10 =	vmul.f32 v8, v1  }
0x12f: {  	v11 =	vmul.f32 v9, v2  }
0x130: {  	v5 =	vsub.f32 $1.500000000e+00, v5;
	v10 =	vmul.f32 v8, v10  }
0x131: {  	v11 =	vmul.f32 v9, v11  }
0x132: {  	v3 =	vmul.f32 v3, v5;
	v10 =	vsub.f32 $1.500000000e+00, v10  }
0x133: {  	v5 =	vsub.f32 $1.500000000e+00, v11  }
0x134: {  	v4 =	vmul.f32 v3, v4;
	v8 =	vmul.f32 v8, v10  }
0x135: {  	v5 =	vmul.f32 v9, v5  }
0x136: {  	v4 =	vmul.f32 v4, v3;
	v1 =	vmul.f32 v8, v1  }
0x137: {  	v2 =	vmul.f32 v5, v2  }
0x138: {  	v4 =	vsub.f32 $1.500000000e+00, v4;
	v1 =	vmul.f32 v1, v8  }
0x139: {  	v2 =	vmul.f32 v2, v5  }
0x13a: {  	v0 =	vsub.f32 $0.0e+00, v0;
	v3 =	vmul.f32 v4, v3;
	v1 =	vsub.f32 $1.500000000e+00, v1  }
0x13b: {  	v2 =	vsub.f32 $1.500000000e+00, v2  }
0x13c: {  	v0 =	vmul.f32 v3, v0;
	v1 =	vmul.f32 v1, v8  }
0x13d: {  	v2 =	vmul.f32 v2, v5  }
0x13e: {  	v0 =	vmax.f32 v0, $-1.000000000e+00;
	v1 =	vmul.f32 v1, v6  }
0x13f: {  	v0 =	vmin.f32 v0, $1.000000000e+00;
	v3 =	vmul.f32 v2, v7  }
0x140: {  	v7 =	vand.u32 $0x7FFFFFFF, v0;
	v1 =	vmax.f32 v1, $-1.000000000e+00  }
0x141: {  	v2 =	vmin.f32 v1, $1.000000000e+00;
	v1 =	vmax.f32 v3, $-1.000000000e+00;
	v3 =	vsub.f32 $1.000000000e+00, v7  }
0x142: {  	v5 =	vmul.f32 $1.872929930e-02, v7;
	v1 =	vmin.f32 v1, $1.000000000e+00;
	v6 =	vand.u32 $0x7FFFFFFF, v2  }
0x143: {  	v9 =	vsub.f32 $1.000000000e+00, v6;
	v8 =	vmul.f32 $1.872929930e-02, v6;
	v10 =	vand.u32 $0x7FFFFFFF, v1  }
0x144: {  	v12 =	vmax.f32 v3, $1.000000000e-30;
	v4 =	vsub.f32 $1.000000000e+00, v10;
	v11 =	vmul.f32 $1.872929930e-02, v10  }
0x145: {  	v14 =	vsub.f32 $7.426100220e-02, v5;
	v13 =	vmax.f32 v9, $1.000000000e-30;
	v8 =	vsub.f32 $7.426100220e-02, v8  }
0x146: {  	v15 =	vshra.s32 v12, $0x1;
	v5 =	vshra.s32 v13, $0x1;
	v13 =	vmul.f32 $5.000000000e-01, v13  }
0x147: {  	v12 =	vmul.f32 $5.000000000e-01, v12;
	v17 =	vmax.f32 v4, $1.000000000e-30;
	v16 =	vsub.s32 $0x5F3759DF, v5  }
0x148: {  	v11 =	vsub.f32 $7.426100220e-02, v11;
	v5 =	vsub.s32 $0x5F3759DF, v15;
	v13 =	vmul.f32 v16, v13  }
0x149: {  	v8 =	vmul.f32 v8, v6;
	v15 =	vshra.s32 v17, $0x1;
	v17 =	vmul.f32 $5.000000000e-01, v17  }
0x14a: {  	v15 =	vsub.s32 $0x5F3759DF, v15;
	v11 =	vmul.f32 v11, v10;
	v13 =	vmul.f32 v16, v13  }
0x14b: {  	v12 =	vmul.f32 v5, v12;
	v8 =	vadd.f32 $-2.121143940e-01, v8;
	v17 =	vmul.f32 v15, v17  }
0x14c: {  	v14 =	vmul.f32 v14, v7;
	v11 =	vadd.f32 $-2.121143940e-01, v11;
	v13 =	vsub.f32 $1.500000000e+00, v13  }
.Ltmp1:
0x14d: {  	v18 =	vmul.f32 v8, v6;
	v6 =	vmul.f32 v15, v17;
	(pc) =	sbr.rel @p0 .LBB2_5-.Ltmp1, $4  }
0x14e: {  	v8 =	vmul.f32 v11, v10;
	v10 =	vmul.f32 v5, v12;
	v11 =	vadd.f32 $-2.121143940e-01, v14  }
0x14f: {  	v12 =	vmul.f32 v16, v13;
	v13 =	vsub.f32 $1.500000000e+00, v6  }
0x150: {  	v6 =	vadd.f32 $1.570728780e+00, v8;
	v8 =	vsub.f32 $1.500000000e+00, v10;
	v7 =	vmul.f32 v11, v7  }
0x151: {  	v10 =	vadd.f32 $1.570728780e+00, v18;
	v9 =	vmul.f32 v12, v9;
	v11 =	vmul.f32 v15, v13  }
0x152: {  	v5 =	vmul.f32 v5, v8  }
0x153: {  	v4 =	vmul.f32 v11, v4  }
0x154: {  	v7 =	vadd.f32 $1.570728780e+00, v7;
	v58 =	vmul.f32 v9, v10;
	v3 =	vmul.f32 v5, v3  }
0x155: {  	v4 =	vmul.f32 v4, v6  }
0x156: {  	s28 =	sadd.s32 $0x1, s28;
	v59 =	vsub.f32 $3.141592740e+00, v58;
	v3 =	vmul.f32 v3, v7  }
0x157: {  	vm0 =	vlt.f32 v2, $0.0e+00;
	p0 =	sne.s32 s28, $0x19;
	v60 =	vsub.f32 $3.141592740e+00, v4  }
.Ltmp2:
0x158: {  	vm15 =	vlt.f32 v1, $0.0e+00;
	s0 =	sadd.s32 s4, s29;
	v5 =	vsel vm0, v59, v58;
	v61 =	vsub.f32 $3.141592740e+00, v3;
	(pc) =	sbr.rel @p0 .LBB2_2-.Ltmp2, $4  }
0x159: {  	vm1 =	vlt.f32 v0, $0.0e+00;
	s0 =	smul.u32 $0x6, s0;
	[tilespmem:s30+$0xFFFFFFE0] =	vst v5;
	v62 =	vsel vm15, v60, v4  }
0x15a: {  	[tilespmem:s30+$0xFFFFFFF0] =	vst v62;
	v63 =	vsel vm1, v61, v3  }
0x15b: {  	s0 =	sadd.s32 s5, s0;
	[tilespmem:s30+$0x0] =	vst v63  }
0x15c: {  	[hbm4b:s0+s3] =	stream.linear.scatter [tilespmem:s23], [sflag:$0x4], $0x1800, $0x38;
	[tilespmem:$0xDC80] =	vst v63  }
0x15d: {  	_ =	swait.ge [sflag:s17], $0x1000  }
0x15e: {  	[sflag:s17] =	ssyncset.done $0x0  }
0x15f: {  	[sflag:s17] =	ssyncadd.s32 $0xFFFFF000  }
0x160: {  	_ =	swait.ge [sflag:s17], $0x1000  }
0x161: {  	[sflag:s17] =	ssyncset.done $0x0  }
0x162: {  	[sflag:s17] =	ssyncadd.s32 $0xFFFFF000  }
0x163: {  	_ =	swait.ge [sflag:s17], $0x1000  }
0x164: {  	[sflag:s17] =	ssyncset.done $0x0  }
0x165: {  	s26 =	sadd.s32 $0x1, s26;
	[sflag:s17] =	ssyncadd.s32 $0xFFFFF000  }
0x166: {  	p0 =	sne.s32 s26, s9;
	_ =	swait.ge [sflag:s24], $0x1800  }
.Ltmp3:
0x167: {  	[sflag:s24] =	ssyncset.done $0x0;
	(pc) =	sbr.rel @p0 .LBB2_1-.Ltmp3, $4  }
0x168: {  	[sflag:s24] =	ssyncadd.s32 $0xFFFFE800  }
0x169: {  	_ =	swait.ge [sflag:s25], $0x1800  }
0x16a: {  	[sflag:s25] =	ssyncset.done $0x0  }
0x16b: {  	[sflag:s25] =	ssyncadd.s32 $0xFFFFE800  }
0x16c: {  	_ =	sfence.sel $0x180000  }
0x16d: {  	[bflag:$0x0] =	sbarrier.arrive $0xFFFF  }
0x16e: {  	_ =	strace $0x90000047  }
0x16f: {  	s0 =	stileid.u32;
	[bflag:$0x2] =	sbarrier.arrive $0xFFFF  }
0x170: {  	p0 =	sne.s32 s0, $0x0;
	s0 =	rddreg [dreg:$0x2]  }
0x171: {  	s0 =	sadd.s32 @!p0 $0x100000, s0  }
0x172: {  	[sflag:s0] =	ssyncadd.tile.s32 @!p0 $0x1;
	_ =	shalt  }
.Lfunc_end2:
_tile_overlayer_lowered:
.L_overlay_start_2:
0x173: {  	(tag) =	ssettag $0x2  }
0x174: {  	s0 =	rddreg [dreg:$0x0];
	s2 =	stileid.u32  }
0x175: {  	s1 =	rddreg [dreg:$0x1];
	p0 =	sne.s32 s2, $0x0  }
0x176: {  	s3 =	rddreg [dreg:$0x2];
	[bflag:$0x3] =	sbarrier.arrive $0xFFFF;
	s2 =	simm.s32 @!p0 $0x1C05  }
0x177: {  	[timem:s3], [sflag:s2] =	dma.local @!p0 [hbm:s0], s1  }
0x178: {  	s0 =	simm.s32 @!p0 $0x5  }
0x179: {  	_ =	swait.ge @!p0 [sflag:s0], s1  }
0x17a: {  	s1 =	ssub.s32 @!p0 $0x0, s1;
	[sflag:s0] =	ssyncset.done @!p0 $0x0  }
0x17b: {  	[sflag:s0] =	ssyncadd.s32 @!p0 s1  }
0x17c: {  	[bflag:$0x3] =	sbarrier.arrive $0xFFFF  }
0x17d: {  	_ =	shalt  }

// kernel: sparse-core-data-format-call.cloned.1.call-start
scs
called_computation_lowered:
.L_overlay_start_0:
0x0: {  	s2 =	sld [smem:$0x3FD9]  }
0x1: {  	s3 =	sld [smem:$0x3FFE];
	_ =	sdelay $0x1  }
0x2: {  	s1 =	srdreg.scid  }
0x3: {  	s0 =	sand.u32 $0x1, s1  }
0x4: {  	s18 =	sshll.u32 s0, $0xA;
	s2 =	sadd.s32 s3, s2  }
0x5: {  	s2 =	sadd.s32 s2, s18  }
0x6: {  	[smem:$0x3FC6] =	sst s2  }
0x7: {  	_ = 	snop  }
0x8: {  	s2 =	sld [smem:$0x3FD0];
	(tm) =	ssettm $0x1  }
0x9: {  	s19 =	sld [smem:$0x3FFB];
	_ =	sdelay $0x3  }
0xa: {  	_ =	strace s19  }
0xb: {  	s3 =	sld [smem:$0x3FFC];
	_ =	sdelay $0x3  }
0xc: {  	_ =	strace s3  }
0xd: {  	s3 =	sld [smem:$0x3FFD];
	_ =	sdelay $0x3  }
0xe: {  	_ =	strace s3  }
0xf: {  	_ =	strace $0x8FFFFFFF  }
0x10: {  	s20 =	sld [smem:$0x3FDB];
	_ =	sdelay $0x1  }
0x11: {  	s4 =	simm.s32 $_scs_section_size  }
0x12: {  	s5 =	simm.s32 $_size__tile_overlayer_lowered;
	s6 =	simm.s32 $_tile_overlayer_lowered  }
0x13: {  	s23 =	simm.s32 $0x1BFF;
	s22 =	sshll.u32 s6, $0x1;
	s3 =	sadd.s32 s4, s20  }
0x14: {  	s7 =	simm.s32 $0x0;
	s21 =	sshll.u32 s5, $0x1;
	s5 =	sadd.s32 s22, s3  }
0x15: {  	[timem:s7], [sflag:s23] =	dma.local [hbm:s5], s21  }
0x16: {  	_ =	swait.ge [sflag:s23], s21  }
0x17: {  	s4 =	ssub.s32 $0x0, s21;
	[sflag:s23] =	ssyncset.done $0x0  }
0x18: {  	[sflag:s23] =	ssyncadd.s32 s4;
	_ =	sdelay $0x1  }
0x19: {  	s24 =	simm.s32 $0x1B8B  }
0x1a: {  	_ =	swait.ge [sflag:s24], $0x1  }
0x1b: {  	[sflag:s24] =	ssyncset.done $0x0  }
0x1c: {  	s26 =	simm.s32 $0x1B8E;
	s25 =	sld [smem:$0x3FFE];
	[sflag:s24] =	ssyncadd.s32 $0xFFFFFFFF  }
0x1d: {  	s27 =	simm.s32 $execute0_lowered;
	[smem:$0x3FD2] =	sst s26  }
0x1e: {  	s5 =	sshll.u32 s27, $0x1;
	_ =	strace $0x80000049;
	[dreg:$0x1] =	wrdreg $0xFFFFFFFF  }
0x1f: {  	s28 =	simm.s32 $_size_execute0_lowered;
	s3 =	sadd.s32 s3, s5;
	[dreg:$0x0] =	wrdreg $0x0  }
0x20: {  	s5 =	sshll.u32 s28, $0x1;
	[dreg:$0x2] =	wrdreg s3  }
0x21: {  	[dreg:$0x3] =	wrdreg s5  }
0x22: {  	[dreg:$0x4] =	wrdreg $0xC0  }
0x23: {  	_ =	task [dreg:s7], $0x5FFFF  }
0x24: {  	[dreg:$0x1] =	wrdreg $0xFFFFFFFF  }
0x25: {  	[dreg:$0x0] =	wrdreg $0x60  }
0x26: {  	[dreg:$0x2] =	wrdreg s25  }
0x27: {  	[dreg:$0x3] =	wrdreg s2  }
0x28: {  	[dreg:$0x4] =	wrdreg $0x9  }
0x29: {  	_ =	task.clear_ibuf [dreg:s7], $0x5FFFF;
	_ =	strace $0x90000049  }
0x2a: {  	s29 =	simm.s32 $0x9;
	_ =	strace $0x8000004B  }
0x2b: {  	_ =	swait.ge [sflag:s29], $0x1  }
0x2c: {  	[sflag:s29] =	ssyncadd.s32 $0xFFFFFFFF  }
0x2d: {  	_ =	strace $0x9000004B  }
0x2e: {  	_ =	sfence  }
0x2f: {  	s30 =	sld [smem:$0x0];
	_ =	sdelay $0x2  }
0x30: {  	s31 =	sshll.u32 s1, $0xD;
	s1 =	sshrl.u32 s1, $0x2  }
0x31: {  	s3 =	sand.u32 $0x4000, s31;
	s1 =	sadd.s32 s1, s30  }
0x32: {  	s0 =	sor.u32 s3, s0;
	s1 =	sshll.u32 s1, $0x11  }
0x33: {  	s0 =	sor.u32 s1, s0  }
0x34: {  	s0 =	sadd.s32 $0x8F2B, s0  }
0x35: {  	[sflag:s0] =	ssyncadd.remote.s32 $0x1  }
0x36: {  	_ =	sfence.sel $0xFFFF  }
0x37: {  	[dreg:$0x0] =	wrdreg $0xFFFFFFFF;
	(pc) =	sbr.abs _section_cstart, $3  }
0x38: {  	[dreg:$0x1] =	wrdreg $0xFFFFFFFF  }
0x39: {  	_ =	task.clear_ibuf [dreg:s7], $0x2FFFF;
	_ =	strace $0x9FFFFFFF  }
0x3a: {  	(tm) =	ssettm $0x7FFFFFFF  }
0x3b: {  	_ =	shalt  }
tec
execute0_lowered:
.L_overlay_start_1:
0x0: {  	(tag) =	ssettag $0x1  }
0x1: {  	s4 =	rddreg [dreg:$0x0]  }
0x2: {  	s0 =	srdreg.scid;
	s2 =	rddreg [dreg:$0x1]  }
0x3: {  	s1 =	stileid.u32;
	s5 =	simm.s32 $0x1;
	s0 =	sshll.u32 s0, $0x4  }
0x4: {  	s7 =	simm.s32 $0x2;
	s12 =	simm.s32 $0x0;
	s3 =	sand.u32 $0x10, s0  }
.Ltmp0:
0x5: {  	s8 =	simm.s32 $0x186C00;
	s3 =	sor.u32 s1, s3;
	(pc) =	sbr.rel .LBB1_1-.Ltmp0, $4  }
0x6: {  	s10 =	simm.s32 $0x0;
	s11 =	simm.s32 $0x0;
	s3 =	sshll.u32 s3, $0x7  }
0x7: {  	s0 =	rddreg [dreg:$0x2];
	_ =	strace $0x8000004A;
	s6 =	ssub.s32 $0x30D00, s3  }
0x8: {  	s4 =	sadd.s32 $0x45F200, s4;
	[sflag:s5] =	ssyncpa.u1 $0x0;
	s6 =	sshrl.u32 s6, $0xC  }
0x9: {  	[sflag:s7] =	ssyncpa.u1 $0x0;
	s9 =	smov.u32 s3;
	s7 =	sadd.s32 $0x2, s6  }
.LBB1_5:
0xa: {  	[tilespmem:s22+$0x0 ss:$0x81] =	vst.msk $0xffff, v3;
	s15 =	sadd.s32 s18, s20  }
0xb: {  	s31 =	sadd.s32 s18, s21;
	[tilespmem:s15+$0x0 ss:$0x81] =	vst.msk $0xffff, v1  }
0xc: {  	[tilespmem:s31+$0x0 ss:$0x81] =	vst.msk $0xffff, v2  }
.LBB1_6:
0xd: {  	s15 =	sshll.u32 s10, $0x3  }
0xe: {  	s15 =	sand.u32 $0xFFFFFC00, s15  }
0xf: {  	s16 =	sshrl.u32 s15, $0x7  }
0x10: {  	s16 =	smulhi.u32 $0xA7B7EF, s16;
	_ =	sdelay $0x1  }
0x11: {  	s16 =	sshrl.u32 s16, $0x2  }
0x12: {  	s17 =	smul.u32 $0x2AAB, s16  }
0x13: {  	p0 =	sgt.s32 s10, $0x30D00;
	s20 =	smov.u32 s10  }
0x14: {  	s20 =	simm.s32 @!p0 $0x30D00;
	s17 =	sshrl.u32 s17, $0x13  }
0x15: {  	s18 =	sand.u32 $0x7F, s10;
	s13 =	sadd.s32 s13, s20;
	s17 =	smul.u32 $0x30, s17  }
0x16: {  	s15 =	sor.u32 s18, s15;
	s30 =	sadd.s32 $0xFFFCF300, s13;
	s19 =	smul.u32 $0x30D80, s16  }
0x17: {  	s13 =	ssub.s32 $0x30D80, s13;
	p0 =	sgt.s32 s30, $0x7F;
	s16 =	ssub.s32 s16, s17  }
0x18: {  	s13 =	smul.u32 $0xC0, s13;
	s15 =	ssub.s32 s15, s19;
	s16 =	sand.u32 $0xFFFF, s16  }
0x19: {  	s31 =	sshrl.u32 s15, $0x3;
	s15 =	sand.u32 $0x7, s15;
	s16 =	smul.u32 $0x61B0, s16  }
0x1a: {  	s13 =	sshrl.u32 s13, $0x2;
	s15 =	sshll.u32 s15, $0x12;
	s17 =	sadd.s32 s2, s31  }
0x1b: {  	s13 =	simm.s32 @p0 $0x0;
	s15 =	sor.u32 $0x400, s15;
	s16 =	sadd.s32 s16, s17  }
0x1c: {  	[hbm4b:s16+s15] =	stream.strided.scatter [tilespmem:s14], [sflag:$0x2], s13, s8, s15, $0x20;
	[tilespmem:$0x8080] =	vst v63  }
.LBB1_7:
0x1d: {  	p0 =	slt.u32 s11, $0x2  }
0x1e: {  	p1 =	sgt.s32 @!p0 s12, $0x30D00  }
0x1f: {  	s13 =	smov.u32 s12;
	s14 =	sshra.s32 @!p0 s12, $0x1F;
	p1 =	por !p1, p0  }
0x20: {  	s12 =	sand.u32 @!p0 s14, s12;
	s13 =	simm.s32 @p1 $0x30D00  }
0x21: {  	s12 =	ssub.s32 @!p0 s13, s12  }
0x22: {  	s13 =	ssub.s32 @!p0 $0x30D80, s12  }
0x23: {  	s12 =	sadd.s32 @!p0 $0xFFFCF300, s12;
	s13 =	smul.u32 @!p0 $0xC0, s13  }
0x24: {  	p1 =	sgt.s32 @!p0 s12, $0x7F  }
0x25: {  	s14 =	sadd.s32 $0x1000, s9;
	p1 =	por !p1, p0;
	s12 =	sshrl.u32 @!p0 s13, $0x2  }
0x26: {  	s12 =	simm.s32 @!p1 $0x0;
	p1 =	sgt.s32 s14, $0x30D3F  }
0x27: {  	s14 =	smov.u32 @p1 s3;
	p1 =	sne.s32 s11, s7  }
.Ltmp1:
0x28: {  	_ = 	snop;
	(pc) =	sbr.rel @!p1 .LBB1_8-.Ltmp1, $4  }
0x29: {  	s13 =	simm.s32 @!p0 $0x2  }
0x2a: {  	_ =	swait.ge @!p0 [sflag:s13], s12;
	s15 =	ssub.s32 @!p0 $0x0, s12  }
0x2b: {  	s12 =	smov.u32 s10;
	s11 =	sadd.s32 $0x1, s11;
	[sflag:s13] =	ssyncset.done @!p0 $0x0  }
0x2c: {  	s10 =	smov.u32 s9;
	s9 =	smov.u32 s14;
	[sflag:s13] =	ssyncadd.s32 @!p0 s15  }
.LBB1_1:
0x2d: {  	p0 =	sgt.u32 s11, s6  }
0x2e: {  	s14 =	smov.u32 s9;
	p1 =	sgt.s32 @!p0 s9, $0x30CC0  }
0x2f: {  	s13 =	sand.u32 @!p0 $0x1FFFFFF, s9;
	s15 =	sshra.s32 @!p0 s9, $0x1F;
	p1 =	por !p1, p0  }
0x30: {  	s16 =	smulhi.u32 @!p0 $0x14F8B59, s13;
	s15 =	sand.u32 @!p0 s15, s9;
	s14 =	simm.s32 @p1 $0x30CC0  }
0x31: {  	s14 =	ssub.s32 @!p0 s14, s15  }
0x32: {  	s15 =	sshrl.u32 @!p0 s16, $0xA;
	s14 =	sadd.s32 @!p0 $0xFFFCF340, s14  }
0x33: {  	s16 =	sxor.u32 @!p0 $0xFFFFFFFF, s11;
	s15 =	smul.u32 @!p0 $0x30D40, s15;
	s17 =	sshll.u32 @!p0 s14, $0x8  }
0x34: {  	s16 =	sshll.u32 @!p0 s16, $0xD;
	p1 =	sgt.s32 @!p0 s14, $0x7F;
	s14 =	ssub.s32 @!p0 $0x8000, s17  }
0x35: {  	s13 =	ssub.s32 @!p0 s13, s15;
	p1 =	por !p1, p0;
	s15 =	sand.u32 @!p0 $0x2000, s16  }
0x36: {  	s16 =	simm.s32 @!p0 $0x40;
	s14 =	sshrl.u32 @!p0 s14, $0x2;
	s13 =	sshll.u32 @!p0 s13, $0x4  }
0x37: {  	s17 =	simm.s32 @!p0 $0x80;
	s14 =	simm.s32 @!p1 $0x0;
	s13 =	sadd.s32 @!p0 s4, s13  }
0x38: {  	[tilespmem:s15], [sflag:$0x1] =	stream.strided.gather @!p0 [hbm4b:s13+s16], s14, s17, s16, $0x38;
	[tilespmem:$0x8080] =	vst v63  }
0x39: {  	p0 =	seq.s32 s11, $0x0  }
0x3a: {  	p1 =	sge.u32 @!p0 s11, s7  }
0x3b: {  	p0 =	por p0, p1  }
.Ltmp2:
0x3c: {  	_ = 	snop;
	(pc) =	sbr.rel @p0 .LBB1_7-.Ltmp2, $1  }
0x3d: {  	_ =	sdelay $0x3  }
0x3e: {  	s13 =	ssub.s32 $0x0, s10  }
0x3f: {  	s14 =	sshra.s32 s10, $0x1F;
	p0 =	sgt.s32 s10, $0x30CC0;
	s15 =	smov.u32 s10  }
0x40: {  	s13 =	sand.u32 s13, s14;
	s15 =	simm.s32 @!p0 $0x30CC0  }
0x41: {  	s14 =	sadd.s32 s13, s15  }
0x42: {  	s17 =	sadd.s32 $0x80, s10;
	s14 =	sadd.s32 $0xFFFCF340, s14  }
0x43: {  	p1 =	slt.s32 s17, $0x30D40;
	s31 =	sshll.u32 s14, $0x8  }
0x44: {  	s17 =	simm.s32 @!p1 $0x30D40;
	s15 =	ssub.s32 $0x8000, s31  }
0x45: {  	p0 =	sgt.s32 s14, $0x7F;
	s14 =	sshrl.u32 s15, $0x2;
	s15 =	ssub.s32 s17, s10  }
0x46: {  	s14 =	simm.s32 @p0 $0x0;
	p0 =	slt.s32 s15, $0x1  }
.Ltmp3:
0x47: {  	_ = 	snop;
	(pc) =	sbr.rel @p0 .LBB1_6-.Ltmp3, $4  }
0x48: {  	s16 =	sand.u32 $0x1, s11  }
0x49: {  	s18 =	smul.u32 $0x2040, s16;
	_ =	swait.ge [sflag:s5], s14  }
0x4a: {  	s14 =	ssub.s32 $0x0, s14;
	[sflag:s5] =	ssyncset.done $0x0  }
0x4b: {  	[sflag:s5] =	ssyncadd.s32 s14;
	s14 =	sor.u32 $0x4000, s18  }
0x4c: {  	s16 =	sshll.u32 s16, $0xD  }
0x4d: {  	v0 =	vmov s16  }
0x4e: {  	s17 =	simm.s32 $0x0  }
0x4f: {  	s18 =	simm.s32 $0x10;
	s17 =	sand.u32 $0x38, s17  }
0x50: {  	s16 =	simm.s32 $0x0;
	s19 =	smul.u32 $0x204, s17;
	s20 =	sxor.u32 $0x20, s17  }
0x51: {  	p0 =	sne.s32 s15, $0x1;
	s22 =	sand.u32 $0x1FC0, s16;
	s21 =	smul.u32 $0x204, s20  }
.Ltmp4:
0x52: {  	s18 =	sand.u32 $0x38, s18;
	v3 =	vld.idx.msk [tilespmem:v0+s22+$0x20 ss:$0x1], $0xffff;
	(pc) =	sbr.rel @!p0 .LBB1_5-.Ltmp4, $4  }
0x53: {  	s17 =	simm.s32 $0x1;
	s23 =	smul.u32 $0x204, s18;
	v1 =	vld.idx.msk [tilespmem:v0+s22+$0x0 ss:$0x1], $0xffff  }
0x54: {  	s18 =	sand.u32 $0x7F, s16;
	s19 =	sshrl.u32 s19, $0x2;
	s30 =	sshrl.u32 s21, $0x2;
	v2 =	vld.idx.msk [tilespmem:v0+s22+$0x10 ss:$0x1], $0xffff  }
0x55: {  	s31 =	sshrl.u32 s23, $0x2;
	s20 =	sadd.s32 s19, s14;
	s19 =	sadd.s32 s30, s14  }
0x56: {  	s21 =	sadd.s32 s31, s14;
	s22 =	sadd.s32 s18, s19;
	s19 =	simm.s32 $0x808  }
.LBB1_4:
0x57: {  	s23 =	sadd.s32 $0xFFFFF800, s19;
	s24 =	sshrl.u32 s19, $0x7;
	[tilespmem:s22+$0x0 ss:$0x81] =	vst.msk $0xffff, v3;
	s22 =	smov.u32 s17  }
0x58: {  	s17 =	sadd.s32 $0x1, s17;
	s16 =	sadd.s32 $0x40, s16;
	s23 =	sshrl.u32 s23, $0x7  }
0x59: {  	p0 =	sne.s32 s15, s17;
	s25 =	sand.u32 $0x1FC0, s16;
	s23 =	sand.u32 $0x38, s23  }
0x5a: {  	s24 =	sand.u32 $0x38, s24;
	s26 =	smul.u32 $0x204, s23;
	s23 =	sxor.u32 $0x20, s23  }
0x5b: {  	s20 =	sadd.s32 s18, s20;
	v3 =	vld.idx.msk [tilespmem:v0+s25+$0x20 ss:$0x1], $0xffff;
	s23 =	smul.u32 $0x204, s23  }
.Ltmp5:
0x5c: {  	s18 =	sadd.s32 s18, s21;
	[tilespmem:s20+$0x0 ss:$0x81] =	vst.msk $0xffff, v1;
	v1 =	vld.idx.msk [tilespmem:v0+s25+$0x0 ss:$0x1], $0xffff;
	(pc) =	sbr.rel @p0 .LBB1_4-.Ltmp5, $4  }
0x5d: {  	s21 =	smul.u32 $0x204, s24;
	s20 =	sshrl.u32 s26, $0x2;
	[tilespmem:s18+$0x0 ss:$0x81] =	vst.msk $0xffff, v2;
	v2 =	vld.idx.msk [tilespmem:v0+s25+$0x10 ss:$0x1], $0xffff  }
0x5e: {  	s20 =	sadd.s32 s20, s14;
	s23 =	sshrl.u32 s23, $0x2  }
0x5f: {  	s21 =	sshrl.u32 s21, $0x2;
	s18 =	sand.u32 $0x7F, s22;
	s22 =	sadd.s32 s23, s14  }
0x60: {  	s19 =	sadd.s32 $0x8, s19;
	s21 =	sadd.s32 s21, s14;
	s22 =	sadd.s32 s18, s22  }
.Ltmp6:
0x61: {  	_ = 	snop;
	(pc) =	sbr.rel .LBB1_5-.Ltmp6, $1  }
0x62: {  	_ =	sdelay $0x3  }
.LBB1_8:
0x63: {  	_ =	sfence.sel $0x180000  }
0x64: {  	s2 =	simm.s32 $0x1;
	[bflag:$0x0] =	sbarrier.arrive $0xFFFF  }
0x65: {  	s31 =	simm.s32 $0x2;
	[sflag:s2] =	ssyncpa.u1 $0x1  }
0x66: {  	[sflag:s31] =	ssyncpa.u1 $0x1  }
0x67: {  	p0 =	sne.s32 s1, $0x0;
	_ =	strace $0x9000004A  }
0x68: {  	s0 =	sadd.s32 @!p0 $0x100000, s0;
	[bflag:$0x2] =	sbarrier.arrive $0xFFFF  }
0x69: {  	[sflag:s0] =	ssyncadd.tile.s32 @!p0 $0x1;
	_ =	shalt  }
.Lfunc_end1:
_tile_overlayer_lowered:
.L_overlay_start_2:
0x6a: {  	(tag) =	ssettag $0x2  }
0x6b: {  	s0 =	rddreg [dreg:$0x0];
	s2 =	stileid.u32  }
0x6c: {  	s1 =	rddreg [dreg:$0x1];
	p0 =	sne.s32 s2, $0x0  }
0x6d: {  	s3 =	rddreg [dreg:$0x2];
	[bflag:$0x3] =	sbarrier.arrive $0xFFFF;
	s2 =	simm.s32 @!p0 $0x1C01  }
0x6e: {  	[timem:s3], [sflag:s2] =	dma.local @!p0 [hbm:s0], s1  }
0x6f: {  	s0 =	simm.s32 @!p0 $0x1  }
0x70: {  	_ =	swait.ge @!p0 [sflag:s0], s1  }
0x71: {  	s1 =	ssub.s32 @!p0 $0x0, s1;
	[sflag:s0] =	ssyncset.done @!p0 $0x0  }
0x72: {  	[sflag:s0] =	ssyncadd.s32 @!p0 s1  }
0x73: {  	[bflag:$0x3] =	sbarrier.arrive $0xFFFF  }
0x74: {  	_ =	shalt  }

</sc_bundles>
